<compile_context>
chip_gen: v7x
topology: tpu7x:2x2x1
jax: 0.10.2.dev20260603
libtpu: 0.0.44.dev20260713+nightly
codegen_flags: <defaults>
</compile_context>

<pallas_src>
import functools
import math

import jax
import jax.numpy as jnp
from jax import lax
from jax.experimental import pallas as pl
from jax.experimental.pallas import tpu as pltpu
from jax.experimental.pallas import tpu_sc as plsc

NC = 2
NS = 16
NW = NC * NS
L = 16


@functools.lru_cache(maxsize=None)
def _build(T, B, V, D, C):
    n_units = T * (B // C)
    assert n_units % NW == 0 and D % L == 0 and C % L == 0
    u_per_w = n_units // NW
    nbb = B // C
    scale = float(math.sqrt(D))
    mesh = plsc.VectorSubcoreMesh(
        core_axis_name="c", subcore_axis_name="s",
        num_cores=NC, num_subcores=NS)

    @functools.partial(
        pl.kernel,
        out_type=jax.ShapeDtypeStruct((T, D, B), jnp.float32),
        mesh=mesh,
        scratch_types=[
            [pltpu.VMEM((C,), jnp.int32) for _ in range(2)],
            [pltpu.VMEM((C, D), jnp.float32) for _ in range(2)],
            [pltpu.VMEM((D, C), jnp.float32) for _ in range(2)],
            [pltpu.SemaphoreType.DMA for _ in range(2)],
            [pltpu.SemaphoreType.DMA for _ in range(2)],
            [pltpu.SemaphoreType.DMA for _ in range(2)],
        ],
        compiler_params=pltpu.CompilerParams(
            use_tc_tiling_on_sc=True, needs_layout_passes=False),
    )
    def emb(tok_hbm, tab_hbm, out_hbm, idx_bufs, row_bufs,
            tr_bufs, isems, gsems, osems):
        wid = lax.axis_index("s") * NC + lax.axis_index("c")
        u_base = wid * u_per_w

        def unit_tb(u):
            return u // nbb, (u % nbb) * C

        def idx_copy(u, b):
            t, b0 = unit_tb(u)
            return pltpu.make_async_copy(
                tok_hbm.at[t, pl.ds(b0, C)], idx_bufs[b], isems[b])

        def start_row_fetches(b):
            def grp(k, carry):
                v16 = idx_bufs[b][pl.ds(k * L, L)]
                for j in range(L):
                    pltpu.make_async_copy(
                        tab_hbm.at[pl.ds(v16[j], 1), :],
                        row_bufs[b].at[pl.ds(k * L + j, 1), :],
                        gsems[b]).start()
                return carry
            lax.fori_loop(0, C // L, grp, 0)

        def drain_row_fetches(b):
            pltpu.make_async_copy(
                tab_hbm.at[pl.ds(0, C), :], row_bufs[b], gsems[b]).wait()

        def out_copy(u, b):
            t, b0 = unit_tb(u)
            return pltpu.make_async_copy(
                tr_bufs[b], out_hbm.at[t, :, pl.ds(b0, C)], osems[b])

        idx_copy(u_base, 0).start()
        idx_copy(u_base + 1, 1).start()
        idx_copy(u_base, 0).wait()
        start_row_fetches(0)

        assert u_per_w % 2 == 0

        def step(i2, carry):
            for b in range(2):
                i = i2 * 2 + b
                u = u_base + i
                nb = 1 - b
                @pl.when(i + 1 < u_per_w)
                def _wait_next_idx():
                    idx_copy(u + 1, nb).wait()
                drain_row_fetches(b)

                @pl.when(i >= 2)
                def _drain_out():
                    out_copy(u - 2, b).wait()

                def col(c, carry):
                    lanes = lax.iota(jnp.int32, L)
                    feat = (c + lanes) & (D - 1)

                    @plsc.parallel_loop(0, C // L, 1, unroll=4)
                    def _grp(k):
                        rows = lanes + (k * L)
                        v = plsc.load_gather(row_bufs[b], [rows, feat])
                        plsc.store_scatter(tr_bufs[b], [feat, rows], v * scale)

                    @pl.when(jnp.logical_and(c < C // L, i + 1 < u_per_w))
                    def _issue_next_rows():
                        v16 = idx_bufs[nb][pl.ds(c * L, L)]
                        for j in range(L):
                            pltpu.make_async_copy(
                                tab_hbm.at[pl.ds(v16[j], 1), :],
                                row_bufs[nb].at[pl.ds(c * L + j, 1), :],
                                gsems[nb]).start()
                    return carry

                lax.fori_loop(0, D, col, 0)
                out_copy(u, b).start()
                @pl.when(i + 2 < u_per_w)
                def _stage_next():
                    idx_copy(u + 2, b).start()
            return carry

        lax.fori_loop(0, u_per_w // 2, step, 0)
        out_copy(u_base + u_per_w - 2, 0).wait()
        out_copy(u_base + u_per_w - 1, 1).wait()

    return emb


@jax.jit
def kernel(tokens, table):
    B, T = tokens.shape
    V, D = table.shape
    tokt = tokens.T.astype(jnp.int32)
    outt = _build(T, B, V, D, 256)(tokt, table)
    return outt.transpose(2, 0, 1)

# --- scband reference (transcript-rebuilt; emitter-appended) ---
"""Pipeline reference for scband-token-embedding-30485677867349 (READ-ONLY COPY).

The authoritative reference and input builder live on the scoring server;
editing this copy changes nothing except your own understanding.
"""

import jax, jax.numpy as jnp
import numpy as np
import math

VOCAB = 1000000
EMB = 64

def setup_inputs(seed: int = 0) -> dict:
    key = jax.random.key(seed)
    k1, k2 = jax.random.split(key)
    tokens = jax.random.randint(k1, (4096, 200), 0, VOCAB, dtype=jnp.int64 if jax.config.jax_enable_x64 else jnp.int32)
    table = jax.random.normal(k2, (VOCAB, EMB), dtype=jnp.float32)
    return {"tokens": tokens, "table": table}

def reference(tokens, table):
    # nn.Embedding lookup followed by sqrt(emb_size) scaling
    emb = jnp.take(table, tokens, axis=0)
    return emb * math.sqrt(EMB)

if __name__ == "__main__":
    import jax
    _d = setup_inputs()
    print(jax.jit(kernel)(*tuple(_d.values())))

</pallas_src>

<mosaic_0001>
#map = affine_map<(d0, d1) -> (0, 0)>
#map1 = affine_map<(d0, d1) -> (0, 0, 0)>
module attributes {stable_mosaic.version = 14 : i64} {
  func.func @emb(%arg0: i32, %arg1: i32, %arg2: memref<200x4096xi32, #tpu.memory_space<hbm>>, %arg3: memref<1000000x64xf32, #tpu.memory_space<hbm>>, %arg4: memref<200x64x4096xf32, #tpu.memory_space<hbm>>, %arg5: memref<256xi32, #tpu.memory_space<vmem>>, %arg6: memref<256xi32, #tpu.memory_space<vmem>>, %arg7: memref<256x64xf32, #tpu.memory_space<vmem>>, %arg8: memref<256x64xf32, #tpu.memory_space<vmem>>, %arg9: memref<64x256xf32, #tpu.memory_space<vmem>>, %arg10: memref<64x256xf32, #tpu.memory_space<vmem>>, %arg11: memref<!tpu.dma_semaphore, #tpu.memory_space<semaphore_mem>>, %arg12: memref<!tpu.dma_semaphore, #tpu.memory_space<semaphore_mem>>, %arg13: memref<!tpu.dma_semaphore, #tpu.memory_space<semaphore_mem>>, %arg14: memref<!tpu.dma_semaphore, #tpu.memory_space<semaphore_mem>>, %arg15: memref<!tpu.dma_semaphore, #tpu.memory_space<semaphore_mem>>, %arg16: memref<!tpu.dma_semaphore, #tpu.memory_space<semaphore_mem>>) attributes {dimension_semantics = [#tpu.dimension_semantics<core_parallel>, #tpu.dimension_semantics<subcore_parallel>], iteration_bounds = array<i64: 2, 16>, scalar_prefetch = 0 : i64, scratch_operands = 12 : i64, tpu.core_type = #tpu.core_type<sc_vector_subcore>, window_params = [{transform_indices = #map}, {transform_indices = #map}, {transform_indices = #map1}]} {
    %mul3A = arith.constant 2 : i32
    %mul3A_0 = arith.muli %arg1, %mul3A : i32
    %add3A = arith.addi %mul3A_0, %arg0 : i32
    %mul3A_1 = arith.constant 100 : i32
    %mul3A_2 = arith.muli %add3A, %mul3A_1 : i32
    %jit3A = arith.constant 16 : i32
    %div3A = arith.divsi %mul3A_2, %jit3A : i32
    %sign3A = arith.constant 0 : i32
    %sign3A_3 = arith.cmpi sgt, %mul3A_2, %sign3A : i32
    %sign3A_4 = arith.extui %sign3A_3 : i1 to i32
    %sign3A_5 = arith.constant 0 : i32
    %sign3A_6 = arith.cmpi slt, %mul3A_2, %sign3A_5 : i32
    %sign3A_7 = arith.extui %sign3A_6 : i1 to i32
    %sign3A_8 = arith.subi %sign3A_4, %sign3A_7 : i32
    %sign3A_9 = arith.constant 0 : i32
    %sign3A_10 = arith.cmpi sgt, %jit3A, %sign3A_9 : i32
    %sign3A_11 = arith.extui %sign3A_10 : i1 to i32
    %sign3A_12 = arith.constant 0 : i32
    %sign3A_13 = arith.cmpi slt, %jit3A, %sign3A_12 : i32
    %sign3A_14 = arith.extui %sign3A_13 : i1 to i32
    %sign3A_15 = arith.subi %sign3A_11, %sign3A_14 : i32
    %ne3A = arith.cmpi ne, %sign3A_8, %sign3A_15 : i32
    %rem3A = arith.remsi %mul3A_2, %jit3A : i32
    %ne3A_16 = arith.constant 0 : i32
    %ne3A_17 = arith.cmpi ne, %rem3A, %ne3A_16 : i32
    %and3A = arith.andi %ne3A, %ne3A_17 : i1
    %sub3A = arith.constant 1 : i32
    %sub3A_18 = arith.subi %div3A, %sub3A : i32
    %select_n3A = arith.select %and3A, %sub3A_18, %div3A : i32
    %jit3A_19 = arith.constant 16 : i32
    %eq3A = arith.constant 0 : i32
    %eq3A_20 = arith.cmpi eq, %jit3A_19, %eq3A : i32
    %jit3A_21 = arith.constant 1 : i32
    %select_n3A_22 = arith.select %eq3A_20, %jit3A_21, %jit3A_19 : i32
    %rem3A_23 = arith.remsi %mul3A_2, %select_n3A_22 : i32
    %ne3A_24 = arith.constant 0 : i32
    %ne3A_25 = arith.cmpi ne, %rem3A_23, %ne3A_24 : i32
    %lt3A = arith.constant 0 : i32
    %lt3A_26 = arith.cmpi slt, %rem3A_23, %lt3A : i32
    %lt3A_27 = arith.constant 0 : i32
    %lt3A_28 = arith.cmpi slt, %select_n3A_22, %lt3A_27 : i32
    %ne3A_29 = arith.xori %lt3A_26, %lt3A_28 : i1
    %and3A_30 = arith.andi %ne3A_29, %ne3A_25 : i1
    %add3A_31 = arith.addi %rem3A_23, %select_n3A_22 : i32
    %select_n3A_32 = arith.select %and3A_30, %add3A_31, %rem3A_23 : i32
    %mul3A_33 = arith.constant 256 : i32
    %mul3A_34 = arith.muli %select_n3A_32, %mul3A_33 : i32
    %dma_start3A = tpu.memref_slice %arg2[%select_n3A, %mul3A_34] : memref<200x4096xi32, #tpu.memory_space<hbm>> -> memref<1x256xi32, #tpu.memory_space<hbm>>
    %dma_start3A_35 = tpu.memref_squeeze %dma_start3A : memref<1x256xi32, #tpu.memory_space<hbm>> -> memref<256xi32, #tpu.memory_space<hbm>>
    %dma_start3A_36 = tpu.memref_slice %arg2[%select_n3A, %mul3A_34] : memref<200x4096xi32, #tpu.memory_space<hbm>> -> memref<1x256xi32, #tpu.memory_space<hbm>>
    %dma_start3A_37 = tpu.memref_squeeze %dma_start3A_36 : memref<1x256xi32, #tpu.memory_space<hbm>> -> memref<256xi32, #tpu.memory_space<hbm>>
    tpu.enqueue_dma source(%dma_start3A_37 : memref<256xi32, #tpu.memory_space<hbm>>) target(%arg5 : memref<256xi32, #tpu.memory_space<vmem>>) target_semaphore(%arg11 : memref<!tpu.dma_semaphore, #tpu.memory_space<semaphore_mem>>)
    %add3A_38 = arith.constant 1 : i32
    %add3A_39 = arith.addi %mul3A_2, %add3A_38 : i32
    %jit3A_40 = arith.constant 16 : i32
    %div3A_41 = arith.divsi %add3A_39, %jit3A_40 : i32
    %sign3A_42 = arith.constant 0 : i32
    %sign3A_43 = arith.cmpi sgt, %add3A_39, %sign3A_42 : i32
    %sign3A_44 = arith.extui %sign3A_43 : i1 to i32
    %sign3A_45 = arith.constant 0 : i32
    %sign3A_46 = arith.cmpi slt, %add3A_39, %sign3A_45 : i32
    %sign3A_47 = arith.extui %sign3A_46 : i1 to i32
    %sign3A_48 = arith.subi %sign3A_44, %sign3A_47 : i32
    %sign3A_49 = arith.constant 0 : i32
    %sign3A_50 = arith.cmpi sgt, %jit3A_40, %sign3A_49 : i32
    %sign3A_51 = arith.extui %sign3A_50 : i1 to i32
    %sign3A_52 = arith.constant 0 : i32
    %sign3A_53 = arith.cmpi slt, %jit3A_40, %sign3A_52 : i32
    %sign3A_54 = arith.extui %sign3A_53 : i1 to i32
    %sign3A_55 = arith.subi %sign3A_51, %sign3A_54 : i32
    %ne3A_56 = arith.cmpi ne, %sign3A_48, %sign3A_55 : i32
    %rem3A_57 = arith.remsi %add3A_39, %jit3A_40 : i32
    %ne3A_58 = arith.constant 0 : i32
    %ne3A_59 = arith.cmpi ne, %rem3A_57, %ne3A_58 : i32
    %and3A_60 = arith.andi %ne3A_56, %ne3A_59 : i1
    %sub3A_61 = arith.constant 1 : i32
    %sub3A_62 = arith.subi %div3A_41, %sub3A_61 : i32
    %select_n3A_63 = arith.select %and3A_60, %sub3A_62, %div3A_41 : i32
    %jit3A_64 = arith.constant 16 : i32
    %eq3A_65 = arith.constant 0 : i32
    %eq3A_66 = arith.cmpi eq, %jit3A_64, %eq3A_65 : i32
    %jit3A_67 = arith.constant 1 : i32
    %select_n3A_68 = arith.select %eq3A_66, %jit3A_67, %jit3A_64 : i32
    %rem3A_69 = arith.remsi %add3A_39, %select_n3A_68 : i32
    %ne3A_70 = arith.constant 0 : i32
    %ne3A_71 = arith.cmpi ne, %rem3A_69, %ne3A_70 : i32
    %lt3A_72 = arith.constant 0 : i32
    %lt3A_73 = arith.cmpi slt, %rem3A_69, %lt3A_72 : i32
    %lt3A_74 = arith.constant 0 : i32
    %lt3A_75 = arith.cmpi slt, %select_n3A_68, %lt3A_74 : i32
    %ne3A_76 = arith.xori %lt3A_73, %lt3A_75 : i1
    %and3A_77 = arith.andi %ne3A_76, %ne3A_71 : i1
    %add3A_78 = arith.addi %rem3A_69, %select_n3A_68 : i32
    %select_n3A_79 = arith.select %and3A_77, %add3A_78, %rem3A_69 : i32
    %mul3A_80 = arith.constant 256 : i32
    %mul3A_81 = arith.muli %select_n3A_79, %mul3A_80 : i32
    %dma_start3A_82 = tpu.memref_slice %arg2[%select_n3A_63, %mul3A_81] : memref<200x4096xi32, #tpu.memory_space<hbm>> -> memref<1x256xi32, #tpu.memory_space<hbm>>
    %dma_start3A_83 = tpu.memref_squeeze %dma_start3A_82 : memref<1x256xi32, #tpu.memory_space<hbm>> -> memref<256xi32, #tpu.memory_space<hbm>>
    %dma_start3A_84 = tpu.memref_slice %arg2[%select_n3A_63, %mul3A_81] : memref<200x4096xi32, #tpu.memory_space<hbm>> -> memref<1x256xi32, #tpu.memory_space<hbm>>
    %dma_start3A_85 = tpu.memref_squeeze %dma_start3A_84 : memref<1x256xi32, #tpu.memory_space<hbm>> -> memref<256xi32, #tpu.memory_space<hbm>>
    tpu.enqueue_dma source(%dma_start3A_85 : memref<256xi32, #tpu.memory_space<hbm>>) target(%arg6 : memref<256xi32, #tpu.memory_space<vmem>>) target_semaphore(%arg12 : memref<!tpu.dma_semaphore, #tpu.memory_space<semaphore_mem>>)
    %jit3A_86 = arith.constant 16 : i32
    %div3A_87 = arith.divsi %mul3A_2, %jit3A_86 : i32
    %sign3A_88 = arith.constant 0 : i32
    %sign3A_89 = arith.cmpi sgt, %mul3A_2, %sign3A_88 : i32
    %sign3A_90 = arith.extui %sign3A_89 : i1 to i32
    %sign3A_91 = arith.constant 0 : i32
    %sign3A_92 = arith.cmpi slt, %mul3A_2, %sign3A_91 : i32
    %sign3A_93 = arith.extui %sign3A_92 : i1 to i32
    %sign3A_94 = arith.subi %sign3A_90, %sign3A_93 : i32
    %sign3A_95 = arith.constant 0 : i32
    %sign3A_96 = arith.cmpi sgt, %jit3A_86, %sign3A_95 : i32
    %sign3A_97 = arith.extui %sign3A_96 : i1 to i32
    %sign3A_98 = arith.constant 0 : i32
    %sign3A_99 = arith.cmpi slt, %jit3A_86, %sign3A_98 : i32
    %sign3A_100 = arith.extui %sign3A_99 : i1 to i32
    %sign3A_101 = arith.subi %sign3A_97, %sign3A_100 : i32
    %ne3A_102 = arith.cmpi ne, %sign3A_94, %sign3A_101 : i32
    %rem3A_103 = arith.remsi %mul3A_2, %jit3A_86 : i32
    %ne3A_104 = arith.constant 0 : i32
    %ne3A_105 = arith.cmpi ne, %rem3A_103, %ne3A_104 : i32
    %and3A_106 = arith.andi %ne3A_102, %ne3A_105 : i1
    %sub3A_107 = arith.constant 1 : i32
    %sub3A_108 = arith.subi %div3A_87, %sub3A_107 : i32
    %select_n3A_109 = arith.select %and3A_106, %sub3A_108, %div3A_87 : i32
    %jit3A_110 = arith.constant 16 : i32
    %eq3A_111 = arith.constant 0 : i32
    %eq3A_112 = arith.cmpi eq, %jit3A_110, %eq3A_111 : i32
    %jit3A_113 = arith.constant 1 : i32
    %select_n3A_114 = arith.select %eq3A_112, %jit3A_113, %jit3A_110 : i32
    %rem3A_115 = arith.remsi %mul3A_2, %select_n3A_114 : i32
    %ne3A_116 = arith.constant 0 : i32
    %ne3A_117 = arith.cmpi ne, %rem3A_115, %ne3A_116 : i32
    %lt3A_118 = arith.constant 0 : i32
    %lt3A_119 = arith.cmpi slt, %rem3A_115, %lt3A_118 : i32
    %lt3A_120 = arith.constant 0 : i32
    %lt3A_121 = arith.cmpi slt, %select_n3A_114, %lt3A_120 : i32
    %ne3A_122 = arith.xori %lt3A_119, %lt3A_121 : i1
    %and3A_123 = arith.andi %ne3A_122, %ne3A_117 : i1
    %add3A_124 = arith.addi %rem3A_115, %select_n3A_114 : i32
    %select_n3A_125 = arith.select %and3A_123, %add3A_124, %rem3A_115 : i32
    %mul3A_126 = arith.constant 256 : i32
    %mul3A_127 = arith.muli %select_n3A_125, %mul3A_126 : i32
    %dma_wait3A = tpu.memref_slice %arg2[%select_n3A_109, %mul3A_127] : memref<200x4096xi32, #tpu.memory_space<hbm>> -> memref<1x256xi32, #tpu.memory_space<hbm>>
    %dma_wait3A_128 = tpu.memref_squeeze %dma_wait3A : memref<1x256xi32, #tpu.memory_space<hbm>> -> memref<256xi32, #tpu.memory_space<hbm>>
    %dma_wait3A_129 = tpu.memref_slice %arg2[%select_n3A_109, %mul3A_127] : memref<200x4096xi32, #tpu.memory_space<hbm>> -> memref<1x256xi32, #tpu.memory_space<hbm>>
    %dma_wait3A_130 = tpu.memref_squeeze %dma_wait3A_129 : memref<1x256xi32, #tpu.memory_space<hbm>> -> memref<256xi32, #tpu.memory_space<hbm>>
    tpu.wait_dma2 semaphore(%arg11 : memref<!tpu.dma_semaphore, #tpu.memory_space<semaphore_mem>>) src(%dma_wait3A_130 : memref<256xi32, #tpu.memory_space<hbm>>) dst(%arg5 : memref<256xi32, #tpu.memory_space<vmem>>)
    %scan3A = arith.constant 0 : i32
    %scan3A_131 = arith.constant 0 : i32
    %scan3A_132 = arith.constant 16 : i32
    %scan3A_133 = arith.addi %scan3A_131, %scan3A_132 : i32
    %scan3A_134 = arith.constant 1 : i32
    scf.for %scan3A_246 = %scan3A_131 to %scan3A_133 step %scan3A_134  : i32 {
      %mul3A_247 = arith.constant 16 : i32
      %mul3A_248 = arith.muli %scan3A_246, %mul3A_247 : i32
      %get3A = arith.index_cast %mul3A_248 : i32 to index
      %get3A_249 = tpu.vector_load %arg5[%get3A] {strides = array<i32>} : memref<256xi32, #tpu.memory_space<vmem>>, vector<16xi32>,
      %slice3A = vector.extract_strided_slice %get3A_249 {offsets = [0], sizes = [1], strides = [1]} : vector<16xi32> to vector<1xi32>
      %squeeze3A = vector.extract %slice3A[0] : i32 from vector<1xi32>
      %mul3A_250 = arith.constant 16 : i32
      %mul3A_251 = arith.muli %scan3A_246, %mul3A_250 : i32
      %add3A_252 = arith.constant 0 : i32
      %add3A_253 = arith.addi %mul3A_251, %add3A_252 : i32
      %dma_start3A_254 = arith.constant 0 : i32
      %dma_start3A_255 = tpu.memref_slice %arg7[%add3A_253, %dma_start3A_254] : memref<256x64xf32, #tpu.memory_space<vmem>> -> memref<1x64xf32, #tpu.memory_space<vmem>>
      %dma_start3A_256 = arith.constant 0 : i32
      %dma_start3A_257 = tpu.memref_slice %arg3[%squeeze3A, %dma_start3A_256] : memref<1000000x64xf32, #tpu.memory_space<hbm>> -> memref<1x64xf32, #tpu.memory_space<hbm>>
      %dma_start3A_258 = arith.constant 0 : i32
      %dma_start3A_259 = tpu.memref_slice %arg7[%add3A_253, %dma_start3A_258] : memref<256x64xf32, #tpu.memory_space<vmem>> -> memref<1x64xf32, #tpu.memory_space<vmem>>
      %dma_start3A_260 = arith.constant 0 : i32
      %dma_start3A_261 = tpu.memref_slice %arg3[%squeeze3A, %dma_start3A_260] : memref<1000000x64xf32, #tpu.memory_space<hbm>> -> memref<1x64xf32, #tpu.memory_space<hbm>>
      tpu.enqueue_dma source(%dma_start3A_261 : memref<1x64xf32, #tpu.memory_space<hbm>>) target(%dma_start3A_259 : memref<1x64xf32, #tpu.memory_space<vmem>>) target_semaphore(%arg13 : memref<!tpu.dma_semaphore, #tpu.memory_space<semaphore_mem>>)
      %slice3A_262 = vector.extract_strided_slice %get3A_249 {offsets = [1], sizes = [1], strides = [1]} : vector<16xi32> to vector<1xi32>
      %squeeze3A_263 = vector.extract %slice3A_262[0] : i32 from vector<1xi32>
      %mul3A_264 = arith.constant 16 : i32
      %mul3A_265 = arith.muli %scan3A_246, %mul3A_264 : i32
      %add3A_266 = arith.constant 1 : i32
      %add3A_267 = arith.addi %mul3A_265, %add3A_266 : i32
      %dma_start3A_268 = arith.constant 0 : i32
      %dma_start3A_269 = tpu.memref_slice %arg7[%add3A_267, %dma_start3A_268] : memref<256x64xf32, #tpu.memory_space<vmem>> -> memref<1x64xf32, #tpu.memory_space<vmem>>
      %dma_start3A_270 = arith.constant 0 : i32
      %dma_start3A_271 = tpu.memref_slice %arg3[%squeeze3A_263, %dma_start3A_270] : memref<1000000x64xf32, #tpu.memory_space<hbm>> -> memref<1x64xf32, #tpu.memory_space<hbm>>
      %dma_start3A_272 = arith.constant 0 : i32
      %dma_start3A_273 = tpu.memref_slice %arg7[%add3A_267, %dma_start3A_272] : memref<256x64xf32, #tpu.memory_space<vmem>> -> memref<1x64xf32, #tpu.memory_space<vmem>>
      %dma_start3A_274 = arith.constant 0 : i32
      %dma_start3A_275 = tpu.memref_slice %arg3[%squeeze3A_263, %dma_start3A_274] : memref<1000000x64xf32, #tpu.memory_space<hbm>> -> memref<1x64xf32, #tpu.memory_space<hbm>>
      tpu.enqueue_dma source(%dma_start3A_275 : memref<1x64xf32, #tpu.memory_space<hbm>>) target(%dma_start3A_273 : memref<1x64xf32, #tpu.memory_space<vmem>>) target_semaphore(%arg13 : memref<!tpu.dma_semaphore, #tpu.memory_space<semaphore_mem>>)
      %slice3A_276 = vector.extract_strided_slice %get3A_249 {offsets = [2], sizes = [1], strides = [1]} : vector<16xi32> to vector<1xi32>
      %squeeze3A_277 = vector.extract %slice3A_276[0] : i32 from vector<1xi32>
      %mul3A_278 = arith.constant 16 : i32
      %mul3A_279 = arith.muli %scan3A_246, %mul3A_278 : i32
      %add3A_280 = arith.constant 2 : i32
      %add3A_281 = arith.addi %mul3A_279, %add3A_280 : i32
      %dma_start3A_282 = arith.constant 0 : i32
      %dma_start3A_283 = tpu.memref_slice %arg7[%add3A_281, %dma_start3A_282] : memref<256x64xf32, #tpu.memory_space<vmem>> -> memref<1x64xf32, #tpu.memory_space<vmem>>
      %dma_start3A_284 = arith.constant 0 : i32
      %dma_start3A_285 = tpu.memref_slice %arg3[%squeeze3A_277, %dma_start3A_284] : memref<1000000x64xf32, #tpu.memory_space<hbm>> -> memref<1x64xf32, #tpu.memory_space<hbm>>
      %dma_start3A_286 = arith.constant 0 : i32
      %dma_start3A_287 = tpu.memref_slice %arg7[%add3A_281, %dma_start3A_286] : memref<256x64xf32, #tpu.memory_space<vmem>> -> memref<1x64xf32, #tpu.memory_space<vmem>>
      %dma_start3A_288 = arith.constant 0 : i32
      %dma_start3A_289 = tpu.memref_slice %arg3[%squeeze3A_277, %dma_start3A_288] : memref<1000000x64xf32, #tpu.memory_space<hbm>> -> memref<1x64xf32, #tpu.memory_space<hbm>>
      tpu.enqueue_dma source(%dma_start3A_289 : memref<1x64xf32, #tpu.memory_space<hbm>>) target(%dma_start3A_287 : memref<1x64xf32, #tpu.memory_space<vmem>>) target_semaphore(%arg13 : memref<!tpu.dma_semaphore, #tpu.memory_space<semaphore_mem>>)
      %slice3A_290 = vector.extract_strided_slice %get3A_249 {offsets = [3], sizes = [1], strides = [1]} : vector<16xi32> to vector<1xi32>
      %squeeze3A_291 = vector.extract %slice3A_290[0] : i32 from vector<1xi32>
      %mul3A_292 = arith.constant 16 : i32
      %mul3A_293 = arith.muli %scan3A_246, %mul3A_292 : i32
      %add3A_294 = arith.constant 3 : i32
      %add3A_295 = arith.addi %mul3A_293, %add3A_294 : i32
      %dma_start3A_296 = arith.constant 0 : i32
      %dma_start3A_297 = tpu.memref_slice %arg7[%add3A_295, %dma_start3A_296] : memref<256x64xf32, #tpu.memory_space<vmem>> -> memref<1x64xf32, #tpu.memory_space<vmem>>
      %dma_start3A_298 = arith.constant 0 : i32
      %dma_start3A_299 = tpu.memref_slice %arg3[%squeeze3A_291, %dma_start3A_298] : memref<1000000x64xf32, #tpu.memory_space<hbm>> -> memref<1x64xf32, #tpu.memory_space<hbm>>
      %dma_start3A_300 = arith.constant 0 : i32
      %dma_start3A_301 = tpu.memref_slice %arg7[%add3A_295, %dma_start3A_300] : memref<256x64xf32, #tpu.memory_space<vmem>> -> memref<1x64xf32, #tpu.memory_space<vmem>>
      %dma_start3A_302 = arith.constant 0 : i32
      %dma_start3A_303 = tpu.memref_slice %arg3[%squeeze3A_291, %dma_start3A_302] : memref<1000000x64xf32, #tpu.memory_space<hbm>> -> memref<1x64xf32, #tpu.memory_space<hbm>>
      tpu.enqueue_dma source(%dma_start3A_303 : memref<1x64xf32, #tpu.memory_space<hbm>>) target(%dma_start3A_301 : memref<1x64xf32, #tpu.memory_space<vmem>>) target_semaphore(%arg13 : memref<!tpu.dma_semaphore, #tpu.memory_space<semaphore_mem>>)
      %slice3A_304 = vector.extract_strided_slice %get3A_249 {offsets = [4], sizes = [1], strides = [1]} : vector<16xi32> to vector<1xi32>
      %squeeze3A_305 = vector.extract %slice3A_304[0] : i32 from vector<1xi32>
      %mul3A_306 = arith.constant 16 : i32
      %mul3A_307 = arith.muli %scan3A_246, %mul3A_306 : i32
      %add3A_308 = arith.constant 4 : i32
      %add3A_309 = arith.addi %mul3A_307, %add3A_308 : i32
      %dma_start3A_310 = arith.constant 0 : i32
      %dma_start3A_311 = tpu.memref_slice %arg7[%add3A_309, %dma_start3A_310] : memref<256x64xf32, #tpu.memory_space<vmem>> -> memref<1x64xf32, #tpu.memory_space<vmem>>
      %dma_start3A_312 = arith.constant 0 : i32
      %dma_start3A_313 = tpu.memref_slice %arg3[%squeeze3A_305, %dma_start3A_312] : memref<1000000x64xf32, #tpu.memory_space<hbm>> -> memref<1x64xf32, #tpu.memory_space<hbm>>
      %dma_start3A_314 = arith.constant 0 : i32
      %dma_start3A_315 = tpu.memref_slice %arg7[%add3A_309, %dma_start3A_314] : memref<256x64xf32, #tpu.memory_space<vmem>> -> memref<1x64xf32, #tpu.memory_space<vmem>>
      %dma_start3A_316 = arith.constant 0 : i32
      %dma_start3A_317 = tpu.memref_slice %arg3[%squeeze3A_305, %dma_start3A_316] : memref<1000000x64xf32, #tpu.memory_space<hbm>> -> memref<1x64xf32, #tpu.memory_space<hbm>>
      tpu.enqueue_dma source(%dma_start3A_317 : memref<1x64xf32, #tpu.memory_space<hbm>>) target(%dma_start3A_315 : memref<1x64xf32, #tpu.memory_space<vmem>>) target_semaphore(%arg13 : memref<!tpu.dma_semaphore, #tpu.memory_space<semaphore_mem>>)
      %slice3A_318 = vector.extract_strided_slice %get3A_249 {offsets = [5], sizes = [1], strides = [1]} : vector<16xi32> to vector<1xi32>
      %squeeze3A_319 = vector.extract %slice3A_318[0] : i32 from vector<1xi32>
      %mul3A_320 = arith.constant 16 : i32
      %mul3A_321 = arith.muli %scan3A_246, %mul3A_320 : i32
      %add3A_322 = arith.constant 5 : i32
      %add3A_323 = arith.addi %mul3A_321, %add3A_322 : i32
      %dma_start3A_324 = arith.constant 0 : i32
      %dma_start3A_325 = tpu.memref_slice %arg7[%add3A_323, %dma_start3A_324] : memref<256x64xf32, #tpu.memory_space<vmem>> -> memref<1x64xf32, #tpu.memory_space<vmem>>
      %dma_start3A_326 = arith.constant 0 : i32
      %dma_start3A_327 = tpu.memref_slice %arg3[%squeeze3A_319, %dma_start3A_326] : memref<1000000x64xf32, #tpu.memory_space<hbm>> -> memref<1x64xf32, #tpu.memory_space<hbm>>
      %dma_start3A_328 = arith.constant 0 : i32
      %dma_start3A_329 = tpu.memref_slice %arg7[%add3A_323, %dma_start3A_328] : memref<256x64xf32, #tpu.memory_space<vmem>> -> memref<1x64xf32, #tpu.memory_space<vmem>>
      %dma_start3A_330 = arith.constant 0 : i32
      %dma_start3A_331 = tpu.memref_slice %arg3[%squeeze3A_319, %dma_start3A_330] : memref<1000000x64xf32, #tpu.memory_space<hbm>> -> memref<1x64xf32, #tpu.memory_space<hbm>>
      tpu.enqueue_dma source(%dma_start3A_331 : memref<1x64xf32, #tpu.memory_space<hbm>>) target(%dma_start3A_329 : memref<1x64xf32, #tpu.memory_space<vmem>>) target_semaphore(%arg13 : memref<!tpu.dma_semaphore, #tpu.memory_space<semaphore_mem>>)
      %slice3A_332 = vector.extract_strided_slice %get3A_249 {offsets = [6], sizes = [1], strides = [1]} : vector<16xi32> to vector<1xi32>
      %squeeze3A_333 = vector.extract %slice3A_332[0] : i32 from vector<1xi32>
      %mul3A_334 = arith.constant 16 : i32
      %mul3A_335 = arith.muli %scan3A_246, %mul3A_334 : i32
      %add3A_336 = arith.constant 6 : i32
      %add3A_337 = arith.addi %mul3A_335, %add3A_336 : i32
      %dma_start3A_338 = arith.constant 0 : i32
      %dma_start3A_339 = tpu.memref_slice %arg7[%add3A_337, %dma_start3A_338] : memref<256x64xf32, #tpu.memory_space<vmem>> -> memref<1x64xf32, #tpu.memory_space<vmem>>
      %dma_start3A_340 = arith.constant 0 : i32
      %dma_start3A_341 = tpu.memref_slice %arg3[%squeeze3A_333, %dma_start3A_340] : memref<1000000x64xf32, #tpu.memory_space<hbm>> -> memref<1x64xf32, #tpu.memory_space<hbm>>
      %dma_start3A_342 = arith.constant 0 : i32
      %dma_start3A_343 = tpu.memref_slice %arg7[%add3A_337, %dma_start3A_342] : memref<256x64xf32, #tpu.memory_space<vmem>> -> memref<1x64xf32, #tpu.memory_space<vmem>>
      %dma_start3A_344 = arith.constant 0 : i32
      %dma_start3A_345 = tpu.memref_slice %arg3[%squeeze3A_333, %dma_start3A_344] : memref<1000000x64xf32, #tpu.memory_space<hbm>> -> memref<1x64xf32, #tpu.memory_space<hbm>>
      tpu.enqueue_dma source(%dma_start3A_345 : memref<1x64xf32, #tpu.memory_space<hbm>>) target(%dma_start3A_343 : memref<1x64xf32, #tpu.memory_space<vmem>>) target_semaphore(%arg13 : memref<!tpu.dma_semaphore, #tpu.memory_space<semaphore_mem>>)
      %slice3A_346 = vector.extract_strided_slice %get3A_249 {offsets = [7], sizes = [1], strides = [1]} : vector<16xi32> to vector<1xi32>
      %squeeze3A_347 = vector.extract %slice3A_346[0] : i32 from vector<1xi32>
      %mul3A_348 = arith.constant 16 : i32
      %mul3A_349 = arith.muli %scan3A_246, %mul3A_348 : i32
      %add3A_350 = arith.constant 7 : i32
      %add3A_351 = arith.addi %mul3A_349, %add3A_350 : i32
      %dma_start3A_352 = arith.constant 0 : i32
      %dma_start3A_353 = tpu.memref_slice %arg7[%add3A_351, %dma_start3A_352] : memref<256x64xf32, #tpu.memory_space<vmem>> -> memref<1x64xf32, #tpu.memory_space<vmem>>
      %dma_start3A_354 = arith.constant 0 : i32
      %dma_start3A_355 = tpu.memref_slice %arg3[%squeeze3A_347, %dma_start3A_354] : memref<1000000x64xf32, #tpu.memory_space<hbm>> -> memref<1x64xf32, #tpu.memory_space<hbm>>
      %dma_start3A_356 = arith.constant 0 : i32
      %dma_start3A_357 = tpu.memref_slice %arg7[%add3A_351, %dma_start3A_356] : memref<256x64xf32, #tpu.memory_space<vmem>> -> memref<1x64xf32, #tpu.memory_space<vmem>>
      %dma_start3A_358 = arith.constant 0 : i32
      %dma_start3A_359 = tpu.memref_slice %arg3[%squeeze3A_347, %dma_start3A_358] : memref<1000000x64xf32, #tpu.memory_space<hbm>> -> memref<1x64xf32, #tpu.memory_space<hbm>>
      tpu.enqueue_dma source(%dma_start3A_359 : memref<1x64xf32, #tpu.memory_space<hbm>>) target(%dma_start3A_357 : memref<1x64xf32, #tpu.memory_space<vmem>>) target_semaphore(%arg13 : memref<!tpu.dma_semaphore, #tpu.memory_space<semaphore_mem>>)
      %slice3A_360 = vector.extract_strided_slice %get3A_249 {offsets = [8], sizes = [1], strides = [1]} : vector<16xi32> to vector<1xi32>
      %squeeze3A_361 = vector.extract %slice3A_360[0] : i32 from vector<1xi32>
      %mul3A_362 = arith.constant 16 : i32
      %mul3A_363 = arith.muli %scan3A_246, %mul3A_362 : i32
      %add3A_364 = arith.constant 8 : i32
      %add3A_365 = arith.addi %mul3A_363, %add3A_364 : i32
      %dma_start3A_366 = arith.constant 0 : i32
      %dma_start3A_367 = tpu.memref_slice %arg7[%add3A_365, %dma_start3A_366] : memref<256x64xf32, #tpu.memory_space<vmem>> -> memref<1x64xf32, #tpu.memory_space<vmem>>
      %dma_start3A_368 = arith.constant 0 : i32
      %dma_start3A_369 = tpu.memref_slice %arg3[%squeeze3A_361, %dma_start3A_368] : memref<1000000x64xf32, #tpu.memory_space<hbm>> -> memref<1x64xf32, #tpu.memory_space<hbm>>
      %dma_start3A_370 = arith.constant 0 : i32
      %dma_start3A_371 = tpu.memref_slice %arg7[%add3A_365, %dma_start3A_370] : memref<256x64xf32, #tpu.memory_space<vmem>> -> memref<1x64xf32, #tpu.memory_space<vmem>>
      %dma_start3A_372 = arith.constant 0 : i32
      %dma_start3A_373 = tpu.memref_slice %arg3[%squeeze3A_361, %dma_start3A_372] : memref<1000000x64xf32, #tpu.memory_space<hbm>> -> memref<1x64xf32, #tpu.memory_space<hbm>>
      tpu.enqueue_dma source(%dma_start3A_373 : memref<1x64xf32, #tpu.memory_space<hbm>>) target(%dma_start3A_371 : memref<1x64xf32, #tpu.memory_space<vmem>>) target_semaphore(%arg13 : memref<!tpu.dma_semaphore, #tpu.memory_space<semaphore_mem>>)
      %slice3A_374 = vector.extract_strided_slice %get3A_249 {offsets = [9], sizes = [1], strides = [1]} : vector<16xi32> to vector<1xi32>
      %squeeze3A_375 = vector.extract %slice3A_374[0] : i32 from vector<1xi32>
      %mul3A_376 = arith.constant 16 : i32
      %mul3A_377 = arith.muli %scan3A_246, %mul3A_376 : i32
      %add3A_378 = arith.constant 9 : i32
      %add3A_379 = arith.addi %mul3A_377, %add3A_378 : i32
      %dma_start3A_380 = arith.constant 0 : i32
      %dma_start3A_381 = tpu.memref_slice %arg7[%add3A_379, %dma_start3A_380] : memref<256x64xf32, #tpu.memory_space<vmem>> -> memref<1x64xf32, #tpu.memory_space<vmem>>
      %dma_start3A_382 = arith.constant 0 : i32
      %dma_start3A_383 = tpu.memref_slice %arg3[%squeeze3A_375, %dma_start3A_382] : memref<1000000x64xf32, #tpu.memory_space<hbm>> -> memref<1x64xf32, #tpu.memory_space<hbm>>
      %dma_start3A_384 = arith.constant 0 : i32
      %dma_start3A_385 = tpu.memref_slice %arg7[%add3A_379, %dma_start3A_384] : memref<256x64xf32, #tpu.memory_space<vmem>> -> memref<1x64xf32, #tpu.memory_space<vmem>>
      %dma_start3A_386 = arith.constant 0 : i32
      %dma_start3A_387 = tpu.memref_slice %arg3[%squeeze3A_375, %dma_start3A_386] : memref<1000000x64xf32, #tpu.memory_space<hbm>> -> memref<1x64xf32, #tpu.memory_space<hbm>>
      tpu.enqueue_dma source(%dma_start3A_387 : memref<1x64xf32, #tpu.memory_space<hbm>>) target(%dma_start3A_385 : memref<1x64xf32, #tpu.memory_space<vmem>>) target_semaphore(%arg13 : memref<!tpu.dma_semaphore, #tpu.memory_space<semaphore_mem>>)
      %slice3A_388 = vector.extract_strided_slice %get3A_249 {offsets = [10], sizes = [1], strides = [1]} : vector<16xi32> to vector<1xi32>
      %squeeze3A_389 = vector.extract %slice3A_388[0] : i32 from vector<1xi32>
      %mul3A_390 = arith.constant 16 : i32
      %mul3A_391 = arith.muli %scan3A_246, %mul3A_390 : i32
      %add3A_392 = arith.constant 10 : i32
      %add3A_393 = arith.addi %mul3A_391, %add3A_392 : i32
      %dma_start3A_394 = arith.constant 0 : i32
      %dma_start3A_395 = tpu.memref_slice %arg7[%add3A_393, %dma_start3A_394] : memref<256x64xf32, #tpu.memory_space<vmem>> -> memref<1x64xf32, #tpu.memory_space<vmem>>
      %dma_start3A_396 = arith.constant 0 : i32
      %dma_start3A_397 = tpu.memref_slice %arg3[%squeeze3A_389, %dma_start3A_396] : memref<1000000x64xf32, #tpu.memory_space<hbm>> -> memref<1x64xf32, #tpu.memory_space<hbm>>
      %dma_start3A_398 = arith.constant 0 : i32
      %dma_start3A_399 = tpu.memref_slice %arg7[%add3A_393, %dma_start3A_398] : memref<256x64xf32, #tpu.memory_space<vmem>> -> memref<1x64xf32, #tpu.memory_space<vmem>>
      %dma_start3A_400 = arith.constant 0 : i32
      %dma_start3A_401 = tpu.memref_slice %arg3[%squeeze3A_389, %dma_start3A_400] : memref<1000000x64xf32, #tpu.memory_space<hbm>> -> memref<1x64xf32, #tpu.memory_space<hbm>>
      tpu.enqueue_dma source(%dma_start3A_401 : memref<1x64xf32, #tpu.memory_space<hbm>>) target(%dma_start3A_399 : memref<1x64xf32, #tpu.memory_space<vmem>>) target_semaphore(%arg13 : memref<!tpu.dma_semaphore, #tpu.memory_space<semaphore_mem>>)
      %slice3A_402 = vector.extract_strided_slice %get3A_249 {offsets = [11], sizes = [1], strides = [1]} : vector<16xi32> to vector<1xi32>
      %squeeze3A_403 = vector.extract %slice3A_402[0] : i32 from vector<1xi32>
      %mul3A_404 = arith.constant 16 : i32
      %mul3A_405 = arith.muli %scan3A_246, %mul3A_404 : i32
      %add3A_406 = arith.constant 11 : i32
      %add3A_407 = arith.addi %mul3A_405, %add3A_406 : i32
      %dma_start3A_408 = arith.constant 0 : i32
      %dma_start3A_409 = tpu.memref_slice %arg7[%add3A_407, %dma_start3A_408] : memref<256x64xf32, #tpu.memory_space<vmem>> -> memref<1x64xf32, #tpu.memory_space<vmem>>
      %dma_start3A_410 = arith.constant 0 : i32
      %dma_start3A_411 = tpu.memref_slice %arg3[%squeeze3A_403, %dma_start3A_410] : memref<1000000x64xf32, #tpu.memory_space<hbm>> -> memref<1x64xf32, #tpu.memory_space<hbm>>
      %dma_start3A_412 = arith.constant 0 : i32
      %dma_start3A_413 = tpu.memref_slice %arg7[%add3A_407, %dma_start3A_412] : memref<256x64xf32, #tpu.memory_space<vmem>> -> memref<1x64xf32, #tpu.memory_space<vmem>>
      %dma_start3A_414 = arith.constant 0 : i32
      %dma_start3A_415 = tpu.memref_slice %arg3[%squeeze3A_403, %dma_start3A_414] : memref<1000000x64xf32, #tpu.memory_space<hbm>> -> memref<1x64xf32, #tpu.memory_space<hbm>>
      tpu.enqueue_dma source(%dma_start3A_415 : memref<1x64xf32, #tpu.memory_space<hbm>>) target(%dma_start3A_413 : memref<1x64xf32, #tpu.memory_space<vmem>>) target_semaphore(%arg13 : memref<!tpu.dma_semaphore, #tpu.memory_space<semaphore_mem>>)
      %slice3A_416 = vector.extract_strided_slice %get3A_249 {offsets = [12], sizes = [1], strides = [1]} : vector<16xi32> to vector<1xi32>
      %squeeze3A_417 = vector.extract %slice3A_416[0] : i32 from vector<1xi32>
      %mul3A_418 = arith.constant 16 : i32
      %mul3A_419 = arith.muli %scan3A_246, %mul3A_418 : i32
      %add3A_420 = arith.constant 12 : i32
      %add3A_421 = arith.addi %mul3A_419, %add3A_420 : i32
      %dma_start3A_422 = arith.constant 0 : i32
      %dma_start3A_423 = tpu.memref_slice %arg7[%add3A_421, %dma_start3A_422] : memref<256x64xf32, #tpu.memory_space<vmem>> -> memref<1x64xf32, #tpu.memory_space<vmem>>
      %dma_start3A_424 = arith.constant 0 : i32
      %dma_start3A_425 = tpu.memref_slice %arg3[%squeeze3A_417, %dma_start3A_424] : memref<1000000x64xf32, #tpu.memory_space<hbm>> -> memref<1x64xf32, #tpu.memory_space<hbm>>
      %dma_start3A_426 = arith.constant 0 : i32
      %dma_start3A_427 = tpu.memref_slice %arg7[%add3A_421, %dma_start3A_426] : memref<256x64xf32, #tpu.memory_space<vmem>> -> memref<1x64xf32, #tpu.memory_space<vmem>>
      %dma_start3A_428 = arith.constant 0 : i32
      %dma_start3A_429 = tpu.memref_slice %arg3[%squeeze3A_417, %dma_start3A_428] : memref<1000000x64xf32, #tpu.memory_space<hbm>> -> memref<1x64xf32, #tpu.memory_space<hbm>>
      tpu.enqueue_dma source(%dma_start3A_429 : memref<1x64xf32, #tpu.memory_space<hbm>>) target(%dma_start3A_427 : memref<1x64xf32, #tpu.memory_space<vmem>>) target_semaphore(%arg13 : memref<!tpu.dma_semaphore, #tpu.memory_space<semaphore_mem>>)
      %slice3A_430 = vector.extract_strided_slice %get3A_249 {offsets = [13], sizes = [1], strides = [1]} : vector<16xi32> to vector<1xi32>
      %squeeze3A_431 = vector.extract %slice3A_430[0] : i32 from vector<1xi32>
      %mul3A_432 = arith.constant 16 : i32
      %mul3A_433 = arith.muli %scan3A_246, %mul3A_432 : i32
      %add3A_434 = arith.constant 13 : i32
      %add3A_435 = arith.addi %mul3A_433, %add3A_434 : i32
      %dma_start3A_436 = arith.constant 0 : i32
      %dma_start3A_437 = tpu.memref_slice %arg7[%add3A_435, %dma_start3A_436] : memref<256x64xf32, #tpu.memory_space<vmem>> -> memref<1x64xf32, #tpu.memory_space<vmem>>
      %dma_start3A_438 = arith.constant 0 : i32
      %dma_start3A_439 = tpu.memref_slice %arg3[%squeeze3A_431, %dma_start3A_438] : memref<1000000x64xf32, #tpu.memory_space<hbm>> -> memref<1x64xf32, #tpu.memory_space<hbm>>
      %dma_start3A_440 = arith.constant 0 : i32
      %dma_start3A_441 = tpu.memref_slice %arg7[%add3A_435, %dma_start3A_440] : memref<256x64xf32, #tpu.memory_space<vmem>> -> memref<1x64xf32, #tpu.memory_space<vmem>>
      %dma_start3A_442 = arith.constant 0 : i32
      %dma_start3A_443 = tpu.memref_slice %arg3[%squeeze3A_431, %dma_start3A_442] : memref<1000000x64xf32, #tpu.memory_space<hbm>> -> memref<1x64xf32, #tpu.memory_space<hbm>>
      tpu.enqueue_dma source(%dma_start3A_443 : memref<1x64xf32, #tpu.memory_space<hbm>>) target(%dma_start3A_441 : memref<1x64xf32, #tpu.memory_space<vmem>>) target_semaphore(%arg13 : memref<!tpu.dma_semaphore, #tpu.memory_space<semaphore_mem>>)
      %slice3A_444 = vector.extract_strided_slice %get3A_249 {offsets = [14], sizes = [1], strides = [1]} : vector<16xi32> to vector<1xi32>
      %squeeze3A_445 = vector.extract %slice3A_444[0] : i32 from vector<1xi32>
      %mul3A_446 = arith.constant 16 : i32
      %mul3A_447 = arith.muli %scan3A_246, %mul3A_446 : i32
      %add3A_448 = arith.constant 14 : i32
      %add3A_449 = arith.addi %mul3A_447, %add3A_448 : i32
      %dma_start3A_450 = arith.constant 0 : i32
      %dma_start3A_451 = tpu.memref_slice %arg7[%add3A_449, %dma_start3A_450] : memref<256x64xf32, #tpu.memory_space<vmem>> -> memref<1x64xf32, #tpu.memory_space<vmem>>
      %dma_start3A_452 = arith.constant 0 : i32
      %dma_start3A_453 = tpu.memref_slice %arg3[%squeeze3A_445, %dma_start3A_452] : memref<1000000x64xf32, #tpu.memory_space<hbm>> -> memref<1x64xf32, #tpu.memory_space<hbm>>
      %dma_start3A_454 = arith.constant 0 : i32
      %dma_start3A_455 = tpu.memref_slice %arg7[%add3A_449, %dma_start3A_454] : memref<256x64xf32, #tpu.memory_space<vmem>> -> memref<1x64xf32, #tpu.memory_space<vmem>>
      %dma_start3A_456 = arith.constant 0 : i32
      %dma_start3A_457 = tpu.memref_slice %arg3[%squeeze3A_445, %dma_start3A_456] : memref<1000000x64xf32, #tpu.memory_space<hbm>> -> memref<1x64xf32, #tpu.memory_space<hbm>>
      tpu.enqueue_dma source(%dma_start3A_457 : memref<1x64xf32, #tpu.memory_space<hbm>>) target(%dma_start3A_455 : memref<1x64xf32, #tpu.memory_space<vmem>>) target_semaphore(%arg13 : memref<!tpu.dma_semaphore, #tpu.memory_space<semaphore_mem>>)
      %slice3A_458 = vector.extract_strided_slice %get3A_249 {offsets = [15], sizes = [1], strides = [1]} : vector<16xi32> to vector<1xi32>
      %squeeze3A_459 = vector.extract %slice3A_458[0] : i32 from vector<1xi32>
      %mul3A_460 = arith.constant 16 : i32
      %mul3A_461 = arith.muli %scan3A_246, %mul3A_460 : i32
      %add3A_462 = arith.constant 15 : i32
      %add3A_463 = arith.addi %mul3A_461, %add3A_462 : i32
      %dma_start3A_464 = arith.constant 0 : i32
      %dma_start3A_465 = tpu.memref_slice %arg7[%add3A_463, %dma_start3A_464] : memref<256x64xf32, #tpu.memory_space<vmem>> -> memref<1x64xf32, #tpu.memory_space<vmem>>
      %dma_start3A_466 = arith.constant 0 : i32
      %dma_start3A_467 = tpu.memref_slice %arg3[%squeeze3A_459, %dma_start3A_466] : memref<1000000x64xf32, #tpu.memory_space<hbm>> -> memref<1x64xf32, #tpu.memory_space<hbm>>
      %dma_start3A_468 = arith.constant 0 : i32
      %dma_start3A_469 = tpu.memref_slice %arg7[%add3A_463, %dma_start3A_468] : memref<256x64xf32, #tpu.memory_space<vmem>> -> memref<1x64xf32, #tpu.memory_space<vmem>>
      %dma_start3A_470 = arith.constant 0 : i32
      %dma_start3A_471 = tpu.memref_slice %arg3[%squeeze3A_459, %dma_start3A_470] : memref<1000000x64xf32, #tpu.memory_space<hbm>> -> memref<1x64xf32, #tpu.memory_space<hbm>>
      tpu.enqueue_dma source(%dma_start3A_471 : memref<1x64xf32, #tpu.memory_space<hbm>>) target(%dma_start3A_469 : memref<1x64xf32, #tpu.memory_space<vmem>>) target_semaphore(%arg13 : memref<!tpu.dma_semaphore, #tpu.memory_space<semaphore_mem>>)
    }
    %scan3A_135 = arith.constant 16 : i32
    %scan3A_136 = arith.constant 0 : i32
    %scan3A_137 = arith.constant 0 : i32
    %scan3A_138 = arith.constant 50 : i32
    %scan3A_139 = arith.addi %scan3A_137, %scan3A_138 : i32
    %scan3A_140 = arith.constant 1 : i32
    scf.for %scan3A_246 = %scan3A_137 to %scan3A_139 step %scan3A_140  : i32 {
      %mul3A_247 = arith.constant 2 : i32
      %mul3A_248 = arith.muli %scan3A_246, %mul3A_247 : i32
      %add3A_249 = arith.constant 0 : i32
      %add3A_250 = arith.addi %mul3A_248, %add3A_249 : i32
      %add3A_251 = arith.addi %mul3A_2, %add3A_250 : i32
      %add3A_252 = arith.constant 1 : i32
      %add3A_253 = arith.addi %add3A_250, %add3A_252 : i32
      %lt3A_254 = arith.constant 100 : i32
      %lt3A_255 = arith.cmpi slt, %add3A_253, %lt3A_254 : i32
      %convert_element_type3A = arith.extui %lt3A_255 : i1 to i32
      %cond3A = arith.constant 0 : i32
      %cond3A_256 = arith.cmpi ne, %convert_element_type3A, %cond3A : i32
      scf.if %cond3A_256 {
        %add3A_412 = arith.constant 1 : i32
        %add3A_413 = arith.addi %add3A_251, %add3A_412 : i32
        %jit3A_414 = arith.constant 16 : i32
        %div3A_415 = arith.divsi %add3A_413, %jit3A_414 : i32
        %sign3A_416 = arith.constant 0 : i32
        %sign3A_417 = arith.cmpi sgt, %add3A_413, %sign3A_416 : i32
        %sign3A_418 = arith.extui %sign3A_417 : i1 to i32
        %sign3A_419 = arith.constant 0 : i32
        %sign3A_420 = arith.cmpi slt, %add3A_413, %sign3A_419 : i32
        %sign3A_421 = arith.extui %sign3A_420 : i1 to i32
        %sign3A_422 = arith.subi %sign3A_418, %sign3A_421 : i32
        %sign3A_423 = arith.constant 0 : i32
        %sign3A_424 = arith.cmpi sgt, %jit3A_414, %sign3A_423 : i32
        %sign3A_425 = arith.extui %sign3A_424 : i1 to i32
        %sign3A_426 = arith.constant 0 : i32
        %sign3A_427 = arith.cmpi slt, %jit3A_414, %sign3A_426 : i32
        %sign3A_428 = arith.extui %sign3A_427 : i1 to i32
        %sign3A_429 = arith.subi %sign3A_425, %sign3A_428 : i32
        %ne3A_430 = arith.cmpi ne, %sign3A_422, %sign3A_429 : i32
        %rem3A_431 = arith.remsi %add3A_413, %jit3A_414 : i32
        %ne3A_432 = arith.constant 0 : i32
        %ne3A_433 = arith.cmpi ne, %rem3A_431, %ne3A_432 : i32
        %and3A_434 = arith.andi %ne3A_430, %ne3A_433 : i1
        %sub3A_435 = arith.constant 1 : i32
        %sub3A_436 = arith.subi %div3A_415, %sub3A_435 : i32
        %select_n3A_437 = arith.select %and3A_434, %sub3A_436, %div3A_415 : i32
        %jit3A_438 = arith.constant 16 : i32
        %eq3A_439 = arith.constant 0 : i32
        %eq3A_440 = arith.cmpi eq, %jit3A_438, %eq3A_439 : i32
        %jit3A_441 = arith.constant 1 : i32
        %select_n3A_442 = arith.select %eq3A_440, %jit3A_441, %jit3A_438 : i32
        %rem3A_443 = arith.remsi %add3A_413, %select_n3A_442 : i32
        %ne3A_444 = arith.constant 0 : i32
        %ne3A_445 = arith.cmpi ne, %rem3A_443, %ne3A_444 : i32
        %lt3A_446 = arith.constant 0 : i32
        %lt3A_447 = arith.cmpi slt, %rem3A_443, %lt3A_446 : i32
        %lt3A_448 = arith.constant 0 : i32
        %lt3A_449 = arith.cmpi slt, %select_n3A_442, %lt3A_448 : i32
        %ne3A_450 = arith.xori %lt3A_447, %lt3A_449 : i1
        %and3A_451 = arith.andi %ne3A_450, %ne3A_445 : i1
        %add3A_452 = arith.addi %rem3A_443, %select_n3A_442 : i32
        %select_n3A_453 = arith.select %and3A_451, %add3A_452, %rem3A_443 : i32
        %mul3A_454 = arith.constant 256 : i32
        %mul3A_455 = arith.muli %select_n3A_453, %mul3A_454 : i32
        %dma_wait3A_456 = tpu.memref_slice %arg2[%select_n3A_437, %mul3A_455] : memref<200x4096xi32, #tpu.memory_space<hbm>> -> memref<1x256xi32, #tpu.memory_space<hbm>>
        %dma_wait3A_457 = tpu.memref_squeeze %dma_wait3A_456 : memref<1x256xi32, #tpu.memory_space<hbm>> -> memref<256xi32, #tpu.memory_space<hbm>>
        %dma_wait3A_458 = tpu.memref_slice %arg2[%select_n3A_437, %mul3A_455] : memref<200x4096xi32, #tpu.memory_space<hbm>> -> memref<1x256xi32, #tpu.memory_space<hbm>>
        %dma_wait3A_459 = tpu.memref_squeeze %dma_wait3A_458 : memref<1x256xi32, #tpu.memory_space<hbm>> -> memref<256xi32, #tpu.memory_space<hbm>>
        tpu.wait_dma2 semaphore(%arg12 : memref<!tpu.dma_semaphore, #tpu.memory_space<semaphore_mem>>) src(%dma_wait3A_459 : memref<256xi32, #tpu.memory_space<hbm>>) dst(%arg6 : memref<256xi32, #tpu.memory_space<vmem>>)
      } else {
      }
      %dma_wait3A_257 = arith.constant 0 : i32
      %dma_wait3A_258 = arith.constant 0 : i32
      %dma_wait3A_259 = tpu.memref_slice %arg3[%dma_wait3A_257, %dma_wait3A_258] : memref<1000000x64xf32, #tpu.memory_space<hbm>> -> memref<256x64xf32, #tpu.memory_space<hbm>>
      %dma_wait3A_260 = arith.constant 0 : i32
      %dma_wait3A_261 = arith.constant 0 : i32
      %dma_wait3A_262 = tpu.memref_slice %arg3[%dma_wait3A_260, %dma_wait3A_261] : memref<1000000x64xf32, #tpu.memory_space<hbm>> -> memref<256x64xf32, #tpu.memory_space<hbm>>
      tpu.wait_dma2 semaphore(%arg13 : memref<!tpu.dma_semaphore, #tpu.memory_space<semaphore_mem>>) src(%dma_wait3A_262 : memref<256x64xf32, #tpu.memory_space<hbm>>) dst(%arg7 : memref<256x64xf32, #tpu.memory_space<vmem>>)
      %ge3A = arith.constant 2 : i32
      %ge3A_263 = arith.cmpi sge, %add3A_250, %ge3A : i32
      %convert_element_type3A_264 = arith.extui %ge3A_263 : i1 to i32
      %cond3A_265 = arith.constant 0 : i32
      %cond3A_266 = arith.cmpi ne, %convert_element_type3A_264, %cond3A_265 : i32
      scf.if %cond3A_266 {
        %sub3A_412 = arith.constant 2 : i32
        %sub3A_413 = arith.subi %add3A_251, %sub3A_412 : i32
        %jit3A_414 = arith.constant 16 : i32
        %div3A_415 = arith.divsi %sub3A_413, %jit3A_414 : i32
        %sign3A_416 = arith.constant 0 : i32
        %sign3A_417 = arith.cmpi sgt, %sub3A_413, %sign3A_416 : i32
        %sign3A_418 = arith.extui %sign3A_417 : i1 to i32
        %sign3A_419 = arith.constant 0 : i32
        %sign3A_420 = arith.cmpi slt, %sub3A_413, %sign3A_419 : i32
        %sign3A_421 = arith.extui %sign3A_420 : i1 to i32
        %sign3A_422 = arith.subi %sign3A_418, %sign3A_421 : i32
        %sign3A_423 = arith.constant 0 : i32
        %sign3A_424 = arith.cmpi sgt, %jit3A_414, %sign3A_423 : i32
        %sign3A_425 = arith.extui %sign3A_424 : i1 to i32
        %sign3A_426 = arith.constant 0 : i32
        %sign3A_427 = arith.cmpi slt, %jit3A_414, %sign3A_426 : i32
        %sign3A_428 = arith.extui %sign3A_427 : i1 to i32
        %sign3A_429 = arith.subi %sign3A_425, %sign3A_428 : i32
        %ne3A_430 = arith.cmpi ne, %sign3A_422, %sign3A_429 : i32
        %rem3A_431 = arith.remsi %sub3A_413, %jit3A_414 : i32
        %ne3A_432 = arith.constant 0 : i32
        %ne3A_433 = arith.cmpi ne, %rem3A_431, %ne3A_432 : i32
        %and3A_434 = arith.andi %ne3A_430, %ne3A_433 : i1
        %sub3A_435 = arith.constant 1 : i32
        %sub3A_436 = arith.subi %div3A_415, %sub3A_435 : i32
        %select_n3A_437 = arith.select %and3A_434, %sub3A_436, %div3A_415 : i32
        %jit3A_438 = arith.constant 16 : i32
        %eq3A_439 = arith.constant 0 : i32
        %eq3A_440 = arith.cmpi eq, %jit3A_438, %eq3A_439 : i32
        %jit3A_441 = arith.constant 1 : i32
        %select_n3A_442 = arith.select %eq3A_440, %jit3A_441, %jit3A_438 : i32
        %rem3A_443 = arith.remsi %sub3A_413, %select_n3A_442 : i32
        %ne3A_444 = arith.constant 0 : i32
        %ne3A_445 = arith.cmpi ne, %rem3A_443, %ne3A_444 : i32
        %lt3A_446 = arith.constant 0 : i32
        %lt3A_447 = arith.cmpi slt, %rem3A_443, %lt3A_446 : i32
        %lt3A_448 = arith.constant 0 : i32
        %lt3A_449 = arith.cmpi slt, %select_n3A_442, %lt3A_448 : i32
        %ne3A_450 = arith.xori %lt3A_447, %lt3A_449 : i1
        %and3A_451 = arith.andi %ne3A_450, %ne3A_445 : i1
        %add3A_452 = arith.addi %rem3A_443, %select_n3A_442 : i32
        %select_n3A_453 = arith.select %and3A_451, %add3A_452, %rem3A_443 : i32
        %mul3A_454 = arith.constant 256 : i32
        %mul3A_455 = arith.muli %select_n3A_453, %mul3A_454 : i32
        %dma_wait3A_456 = arith.constant 0 : i32
        %dma_wait3A_457 = tpu.memref_slice %arg4[%select_n3A_437, %dma_wait3A_456, %mul3A_455] : memref<200x64x4096xf32, #tpu.memory_space<hbm>> -> memref<1x64x256xf32, #tpu.memory_space<hbm>>
        %dma_wait3A_458 = tpu.memref_squeeze %dma_wait3A_457 : memref<1x64x256xf32, #tpu.memory_space<hbm>> -> memref<64x256xf32, #tpu.memory_space<hbm>>
        %dma_wait3A_459 = arith.constant 0 : i32
        %dma_wait3A_460 = tpu.memref_slice %arg4[%select_n3A_437, %dma_wait3A_459, %mul3A_455] : memref<200x64x4096xf32, #tpu.memory_space<hbm>> -> memref<1x64x256xf32, #tpu.memory_space<hbm>>
        %dma_wait3A_461 = tpu.memref_squeeze %dma_wait3A_460 : memref<1x64x256xf32, #tpu.memory_space<hbm>> -> memref<64x256xf32, #tpu.memory_space<hbm>>
        tpu.wait_dma2 semaphore(%arg15 : memref<!tpu.dma_semaphore, #tpu.memory_space<semaphore_mem>>) src(%arg9 : memref<64x256xf32, #tpu.memory_space<vmem>>) dst(%dma_wait3A_461 : memref<64x256xf32, #tpu.memory_space<hbm>>)
      } else {
      }
      %scan3A_267 = arith.constant 0 : i32
      %scan3A_268 = arith.constant 0 : i32
      %scan3A_269 = arith.constant 64 : i32
      %scan3A_270 = arith.addi %scan3A_268, %scan3A_269 : i32
      %scan3A_271 = arith.constant 1 : i32
      scf.for %scan3A_412 = %scan3A_268 to %scan3A_270 step %scan3A_271  : i32 {
        %iota3A = tpu.iota {dimensions = array<i32: 0>} : vector<16xi32>
        %add3A_413 = vector.broadcast %scan3A_412 : i32 to vector<16xi32>
        %add3A_414 = arith.addi %add3A_413, %iota3A : vector<16xi32>
        %and3A_415 = arith.constant 63 : i32
        %and3A_416 = vector.broadcast %and3A_415 : i32 to vector<16xi32>
        %and3A_417 = arith.andi %add3A_414, %and3A_416 : vector<16xi32>
        %parallel_loop3A = arith.constant 0 : i32
        %parallel_loop3A_418 = arith.constant 16 : i32
        %parallel_loop3A_419 = arith.constant 1 : i32
        scf.for %parallel_loop3A_430 = %parallel_loop3A to %parallel_loop3A_418 step %parallel_loop3A_419  : i32 {
          %parallel_loop3A_431 = arith.constant 16 : i32
          %parallel_loop3A_432 = arith.muli %parallel_loop3A_430, %parallel_loop3A_431 : i32
          %parallel_loop3A_433 = vector.broadcast %parallel_loop3A_432 : i32 to vector<16xi32>
          %parallel_loop3A_434 = arith.addi %iota3A, %parallel_loop3A_433 : vector<16xi32>
          %parallel_loop3A_435 = tpu.vector_load_idx %arg7[%parallel_loop3A_434, %and3A_417] : memref<256x64xf32, #tpu.memory_space<vmem>>[vector<16xi32>, vector<16xi32>], vector<16xf32>,
          %parallel_loop3A_436 = arith.constant 8.000000e+00 : f32
          %parallel_loop3A_437 = vector.broadcast %parallel_loop3A_436 : f32 to vector<16xf32>
          %parallel_loop3A_438 = arith.mulf %parallel_loop3A_435, %parallel_loop3A_437 : vector<16xf32>
          tpu.vector_store_idx %arg9[%and3A_417, %parallel_loop3A_434], %parallel_loop3A_438 : memref<64x256xf32, #tpu.memory_space<vmem>>[vector<16xi32>, vector<16xi32>], vector<16xf32>,
        } {sc.loop_unroll_factor = 4 : i64, sc.parallel_access}
        %lt3A_420 = arith.constant 16 : i32
        %lt3A_421 = arith.cmpi slt, %scan3A_412, %lt3A_420 : i32
        %add3A_422 = arith.constant 1 : i32
        %add3A_423 = arith.addi %add3A_250, %add3A_422 : i32
        %lt3A_424 = arith.constant 100 : i32
        %lt3A_425 = arith.cmpi slt, %add3A_423, %lt3A_424 : i32
        %and3A_426 = arith.andi %lt3A_421, %lt3A_425 : i1
        %convert_element_type3A_427 = arith.extui %and3A_426 : i1 to i32
        %cond3A_428 = arith.constant 0 : i32
        %cond3A_429 = arith.cmpi ne, %convert_element_type3A_427, %cond3A_428 : i32
        scf.if %cond3A_429 {
          %mul3A_430 = arith.constant 16 : i32
          %mul3A_431 = arith.muli %scan3A_412, %mul3A_430 : i32
          %get3A = arith.index_cast %mul3A_431 : i32 to index
          %get3A_432 = tpu.vector_load %arg6[%get3A] {strides = array<i32>} : memref<256xi32, #tpu.memory_space<vmem>>, vector<16xi32>,
          %slice3A = vector.extract_strided_slice %get3A_432 {offsets = [0], sizes = [1], strides = [1]} : vector<16xi32> to vector<1xi32>
          %squeeze3A = vector.extract %slice3A[0] : i32 from vector<1xi32>
          %mul3A_433 = arith.constant 16 : i32
          %mul3A_434 = arith.muli %scan3A_412, %mul3A_433 : i32
          %add3A_435 = arith.constant 0 : i32
          %add3A_436 = arith.addi %mul3A_434, %add3A_435 : i32
          %dma_start3A_437 = arith.constant 0 : i32
          %dma_start3A_438 = tpu.memref_slice %arg8[%add3A_436, %dma_start3A_437] : memref<256x64xf32, #tpu.memory_space<vmem>> -> memref<1x64xf32, #tpu.memory_space<vmem>>
          %dma_start3A_439 = arith.constant 0 : i32
          %dma_start3A_440 = tpu.memref_slice %arg3[%squeeze3A, %dma_start3A_439] : memref<1000000x64xf32, #tpu.memory_space<hbm>> -> memref<1x64xf32, #tpu.memory_space<hbm>>
          %dma_start3A_441 = arith.constant 0 : i32
          %dma_start3A_442 = tpu.memref_slice %arg8[%add3A_436, %dma_start3A_441] : memref<256x64xf32, #tpu.memory_space<vmem>> -> memref<1x64xf32, #tpu.memory_space<vmem>>
          %dma_start3A_443 = arith.constant 0 : i32
          %dma_start3A_444 = tpu.memref_slice %arg3[%squeeze3A, %dma_start3A_443] : memref<1000000x64xf32, #tpu.memory_space<hbm>> -> memref<1x64xf32, #tpu.memory_space<hbm>>
          tpu.enqueue_dma source(%dma_start3A_444 : memref<1x64xf32, #tpu.memory_space<hbm>>) target(%dma_start3A_442 : memref<1x64xf32, #tpu.memory_space<vmem>>) target_semaphore(%arg14 : memref<!tpu.dma_semaphore, #tpu.memory_space<semaphore_mem>>)
          %slice3A_445 = vector.extract_strided_slice %get3A_432 {offsets = [1], sizes = [1], strides = [1]} : vector<16xi32> to vector<1xi32>
          %squeeze3A_446 = vector.extract %slice3A_445[0] : i32 from vector<1xi32>
          %mul3A_447 = arith.constant 16 : i32
          %mul3A_448 = arith.muli %scan3A_412, %mul3A_447 : i32
          %add3A_449 = arith.constant 1 : i32
          %add3A_450 = arith.addi %mul3A_448, %add3A_449 : i32
          %dma_start3A_451 = arith.constant 0 : i32
          %dma_start3A_452 = tpu.memref_slice %arg8[%add3A_450, %dma_start3A_451] : memref<256x64xf32, #tpu.memory_space<vmem>> -> memref<1x64xf32, #tpu.memory_space<vmem>>
          %dma_start3A_453 = arith.constant 0 : i32
          %dma_start3A_454 = tpu.memref_slice %arg3[%squeeze3A_446, %dma_start3A_453] : memref<1000000x64xf32, #tpu.memory_space<hbm>> -> memref<1x64xf32, #tpu.memory_space<hbm>>
          %dma_start3A_455 = arith.constant 0 : i32
          %dma_start3A_456 = tpu.memref_slice %arg8[%add3A_450, %dma_start3A_455] : memref<256x64xf32, #tpu.memory_space<vmem>> -> memref<1x64xf32, #tpu.memory_space<vmem>>
          %dma_start3A_457 = arith.constant 0 : i32
          %dma_start3A_458 = tpu.memref_slice %arg3[%squeeze3A_446, %dma_start3A_457] : memref<1000000x64xf32, #tpu.memory_space<hbm>> -> memref<1x64xf32, #tpu.memory_space<hbm>>
          tpu.enqueue_dma source(%dma_start3A_458 : memref<1x64xf32, #tpu.memory_space<hbm>>) target(%dma_start3A_456 : memref<1x64xf32, #tpu.memory_space<vmem>>) target_semaphore(%arg14 : memref<!tpu.dma_semaphore, #tpu.memory_space<semaphore_mem>>)
          %slice3A_459 = vector.extract_strided_slice %get3A_432 {offsets = [2], sizes = [1], strides = [1]} : vector<16xi32> to vector<1xi32>
          %squeeze3A_460 = vector.extract %slice3A_459[0] : i32 from vector<1xi32>
          %mul3A_461 = arith.constant 16 : i32
          %mul3A_462 = arith.muli %scan3A_412, %mul3A_461 : i32
          %add3A_463 = arith.constant 2 : i32
          %add3A_464 = arith.addi %mul3A_462, %add3A_463 : i32
          %dma_start3A_465 = arith.constant 0 : i32
          %dma_start3A_466 = tpu.memref_slice %arg8[%add3A_464, %dma_start3A_465] : memref<256x64xf32, #tpu.memory_space<vmem>> -> memref<1x64xf32, #tpu.memory_space<vmem>>
          %dma_start3A_467 = arith.constant 0 : i32
          %dma_start3A_468 = tpu.memref_slice %arg3[%squeeze3A_460, %dma_start3A_467] : memref<1000000x64xf32, #tpu.memory_space<hbm>> -> memref<1x64xf32, #tpu.memory_space<hbm>>
          %dma_start3A_469 = arith.constant 0 : i32
          %dma_start3A_470 = tpu.memref_slice %arg8[%add3A_464, %dma_start3A_469] : memref<256x64xf32, #tpu.memory_space<vmem>> -> memref<1x64xf32, #tpu.memory_space<vmem>>
          %dma_start3A_471 = arith.constant 0 : i32
          %dma_start3A_472 = tpu.memref_slice %arg3[%squeeze3A_460, %dma_start3A_471] : memref<1000000x64xf32, #tpu.memory_space<hbm>> -> memref<1x64xf32, #tpu.memory_space<hbm>>
          tpu.enqueue_dma source(%dma_start3A_472 : memref<1x64xf32, #tpu.memory_space<hbm>>) target(%dma_start3A_470 : memref<1x64xf32, #tpu.memory_space<vmem>>) target_semaphore(%arg14 : memref<!tpu.dma_semaphore, #tpu.memory_space<semaphore_mem>>)
          %slice3A_473 = vector.extract_strided_slice %get3A_432 {offsets = [3], sizes = [1], strides = [1]} : vector<16xi32> to vector<1xi32>
          %squeeze3A_474 = vector.extract %slice3A_473[0] : i32 from vector<1xi32>
          %mul3A_475 = arith.constant 16 : i32
          %mul3A_476 = arith.muli %scan3A_412, %mul3A_475 : i32
          %add3A_477 = arith.constant 3 : i32
          %add3A_478 = arith.addi %mul3A_476, %add3A_477 : i32
          %dma_start3A_479 = arith.constant 0 : i32
          %dma_start3A_480 = tpu.memref_slice %arg8[%add3A_478, %dma_start3A_479] : memref<256x64xf32, #tpu.memory_space<vmem>> -> memref<1x64xf32, #tpu.memory_space<vmem>>
          %dma_start3A_481 = arith.constant 0 : i32
          %dma_start3A_482 = tpu.memref_slice %arg3[%squeeze3A_474, %dma_start3A_481] : memref<1000000x64xf32, #tpu.memory_space<hbm>> -> memref<1x64xf32, #tpu.memory_space<hbm>>
          %dma_start3A_483 = arith.constant 0 : i32
          %dma_start3A_484 = tpu.memref_slice %arg8[%add3A_478, %dma_start3A_483] : memref<256x64xf32, #tpu.memory_space<vmem>> -> memref<1x64xf32, #tpu.memory_space<vmem>>
          %dma_start3A_485 = arith.constant 0 : i32
          %dma_start3A_486 = tpu.memref_slice %arg3[%squeeze3A_474, %dma_start3A_485] : memref<1000000x64xf32, #tpu.memory_space<hbm>> -> memref<1x64xf32, #tpu.memory_space<hbm>>
          tpu.enqueue_dma source(%dma_start3A_486 : memref<1x64xf32, #tpu.memory_space<hbm>>) target(%dma_start3A_484 : memref<1x64xf32, #tpu.memory_space<vmem>>) target_semaphore(%arg14 : memref<!tpu.dma_semaphore, #tpu.memory_space<semaphore_mem>>)
          %slice3A_487 = vector.extract_strided_slice %get3A_432 {offsets = [4], sizes = [1], strides = [1]} : vector<16xi32> to vector<1xi32>
          %squeeze3A_488 = vector.extract %slice3A_487[0] : i32 from vector<1xi32>
          %mul3A_489 = arith.constant 16 : i32
          %mul3A_490 = arith.muli %scan3A_412, %mul3A_489 : i32
          %add3A_491 = arith.constant 4 : i32
          %add3A_492 = arith.addi %mul3A_490, %add3A_491 : i32
          %dma_start3A_493 = arith.constant 0 : i32
          %dma_start3A_494 = tpu.memref_slice %arg8[%add3A_492, %dma_start3A_493] : memref<256x64xf32, #tpu.memory_space<vmem>> -> memref<1x64xf32, #tpu.memory_space<vmem>>
          %dma_start3A_495 = arith.constant 0 : i32
          %dma_start3A_496 = tpu.memref_slice %arg3[%squeeze3A_488, %dma_start3A_495] : memref<1000000x64xf32, #tpu.memory_space<hbm>> -> memref<1x64xf32, #tpu.memory_space<hbm>>
          %dma_start3A_497 = arith.constant 0 : i32
          %dma_start3A_498 = tpu.memref_slice %arg8[%add3A_492, %dma_start3A_497] : memref<256x64xf32, #tpu.memory_space<vmem>> -> memref<1x64xf32, #tpu.memory_space<vmem>>
          %dma_start3A_499 = arith.constant 0 : i32
          %dma_start3A_500 = tpu.memref_slice %arg3[%squeeze3A_488, %dma_start3A_499] : memref<1000000x64xf32, #tpu.memory_space<hbm>> -> memref<1x64xf32, #tpu.memory_space<hbm>>
          tpu.enqueue_dma source(%dma_start3A_500 : memref<1x64xf32, #tpu.memory_space<hbm>>) target(%dma_start3A_498 : memref<1x64xf32, #tpu.memory_space<vmem>>) target_semaphore(%arg14 : memref<!tpu.dma_semaphore, #tpu.memory_space<semaphore_mem>>)
          %slice3A_501 = vector.extract_strided_slice %get3A_432 {offsets = [5], sizes = [1], strides = [1]} : vector<16xi32> to vector<1xi32>
          %squeeze3A_502 = vector.extract %slice3A_501[0] : i32 from vector<1xi32>
          %mul3A_503 = arith.constant 16 : i32
          %mul3A_504 = arith.muli %scan3A_412, %mul3A_503 : i32
          %add3A_505 = arith.constant 5 : i32
          %add3A_506 = arith.addi %mul3A_504, %add3A_505 : i32
          %dma_start3A_507 = arith.constant 0 : i32
          %dma_start3A_508 = tpu.memref_slice %arg8[%add3A_506, %dma_start3A_507] : memref<256x64xf32, #tpu.memory_space<vmem>> -> memref<1x64xf32, #tpu.memory_space<vmem>>
          %dma_start3A_509 = arith.constant 0 : i32
          %dma_start3A_510 = tpu.memref_slice %arg3[%squeeze3A_502, %dma_start3A_509] : memref<1000000x64xf32, #tpu.memory_space<hbm>> -> memref<1x64xf32, #tpu.memory_space<hbm>>
          %dma_start3A_511 = arith.constant 0 : i32
          %dma_start3A_512 = tpu.memref_slice %arg8[%add3A_506, %dma_start3A_511] : memref<256x64xf32, #tpu.memory_space<vmem>> -> memref<1x64xf32, #tpu.memory_space<vmem>>
          %dma_start3A_513 = arith.constant 0 : i32
          %dma_start3A_514 = tpu.memref_slice %arg3[%squeeze3A_502, %dma_start3A_513] : memref<1000000x64xf32, #tpu.memory_space<hbm>> -> memref<1x64xf32, #tpu.memory_space<hbm>>
          tpu.enqueue_dma source(%dma_start3A_514 : memref<1x64xf32, #tpu.memory_space<hbm>>) target(%dma_start3A_512 : memref<1x64xf32, #tpu.memory_space<vmem>>) target_semaphore(%arg14 : memref<!tpu.dma_semaphore, #tpu.memory_space<semaphore_mem>>)
          %slice3A_515 = vector.extract_strided_slice %get3A_432 {offsets = [6], sizes = [1], strides = [1]} : vector<16xi32> to vector<1xi32>
          %squeeze3A_516 = vector.extract %slice3A_515[0] : i32 from vector<1xi32>
          %mul3A_517 = arith.constant 16 : i32
          %mul3A_518 = arith.muli %scan3A_412, %mul3A_517 : i32
          %add3A_519 = arith.constant 6 : i32
          %add3A_520 = arith.addi %mul3A_518, %add3A_519 : i32
          %dma_start3A_521 = arith.constant 0 : i32
          %dma_start3A_522 = tpu.memref_slice %arg8[%add3A_520, %dma_start3A_521] : memref<256x64xf32, #tpu.memory_space<vmem>> -> memref<1x64xf32, #tpu.memory_space<vmem>>
          %dma_start3A_523 = arith.constant 0 : i32
          %dma_start3A_524 = tpu.memref_slice %arg3[%squeeze3A_516, %dma_start3A_523] : memref<1000000x64xf32, #tpu.memory_space<hbm>> -> memref<1x64xf32, #tpu.memory_space<hbm>>
          %dma_start3A_525 = arith.constant 0 : i32
          %dma_start3A_526 = tpu.memref_slice %arg8[%add3A_520, %dma_start3A_525] : memref<256x64xf32, #tpu.memory_space<vmem>> -> memref<1x64xf32, #tpu.memory_space<vmem>>
          %dma_start3A_527 = arith.constant 0 : i32
          %dma_start3A_528 = tpu.memref_slice %arg3[%squeeze3A_516, %dma_start3A_527] : memref<1000000x64xf32, #tpu.memory_space<hbm>> -> memref<1x64xf32, #tpu.memory_space<hbm>>
          tpu.enqueue_dma source(%dma_start3A_528 : memref<1x64xf32, #tpu.memory_space<hbm>>) target(%dma_start3A_526 : memref<1x64xf32, #tpu.memory_space<vmem>>) target_semaphore(%arg14 : memref<!tpu.dma_semaphore, #tpu.memory_space<semaphore_mem>>)
          %slice3A_529 = vector.extract_strided_slice %get3A_432 {offsets = [7], sizes = [1], strides = [1]} : vector<16xi32> to vector<1xi32>
          %squeeze3A_530 = vector.extract %slice3A_529[0] : i32 from vector<1xi32>
          %mul3A_531 = arith.constant 16 : i32
          %mul3A_532 = arith.muli %scan3A_412, %mul3A_531 : i32
          %add3A_533 = arith.constant 7 : i32
          %add3A_534 = arith.addi %mul3A_532, %add3A_533 : i32
          %dma_start3A_535 = arith.constant 0 : i32
          %dma_start3A_536 = tpu.memref_slice %arg8[%add3A_534, %dma_start3A_535] : memref<256x64xf32, #tpu.memory_space<vmem>> -> memref<1x64xf32, #tpu.memory_space<vmem>>
          %dma_start3A_537 = arith.constant 0 : i32
          %dma_start3A_538 = tpu.memref_slice %arg3[%squeeze3A_530, %dma_start3A_537] : memref<1000000x64xf32, #tpu.memory_space<hbm>> -> memref<1x64xf32, #tpu.memory_space<hbm>>
          %dma_start3A_539 = arith.constant 0 : i32
          %dma_start3A_540 = tpu.memref_slice %arg8[%add3A_534, %dma_start3A_539] : memref<256x64xf32, #tpu.memory_space<vmem>> -> memref<1x64xf32, #tpu.memory_space<vmem>>
          %dma_start3A_541 = arith.constant 0 : i32
          %dma_start3A_542 = tpu.memref_slice %arg3[%squeeze3A_530, %dma_start3A_541] : memref<1000000x64xf32, #tpu.memory_space<hbm>> -> memref<1x64xf32, #tpu.memory_space<hbm>>
          tpu.enqueue_dma source(%dma_start3A_542 : memref<1x64xf32, #tpu.memory_space<hbm>>) target(%dma_start3A_540 : memref<1x64xf32, #tpu.memory_space<vmem>>) target_semaphore(%arg14 : memref<!tpu.dma_semaphore, #tpu.memory_space<semaphore_mem>>)
          %slice3A_543 = vector.extract_strided_slice %get3A_432 {offsets = [8], sizes = [1], strides = [1]} : vector<16xi32> to vector<1xi32>
          %squeeze3A_544 = vector.extract %slice3A_543[0] : i32 from vector<1xi32>
          %mul3A_545 = arith.constant 16 : i32
          %mul3A_546 = arith.muli %scan3A_412, %mul3A_545 : i32
          %add3A_547 = arith.constant 8 : i32
          %add3A_548 = arith.addi %mul3A_546, %add3A_547 : i32
          %dma_start3A_549 = arith.constant 0 : i32
          %dma_start3A_550 = tpu.memref_slice %arg8[%add3A_548, %dma_start3A_549] : memref<256x64xf32, #tpu.memory_space<vmem>> -> memref<1x64xf32, #tpu.memory_space<vmem>>
          %dma_start3A_551 = arith.constant 0 : i32
          %dma_start3A_552 = tpu.memref_slice %arg3[%squeeze3A_544, %dma_start3A_551] : memref<1000000x64xf32, #tpu.memory_space<hbm>> -> memref<1x64xf32, #tpu.memory_space<hbm>>
          %dma_start3A_553 = arith.constant 0 : i32
          %dma_start3A_554 = tpu.memref_slice %arg8[%add3A_548, %dma_start3A_553] : memref<256x64xf32, #tpu.memory_space<vmem>> -> memref<1x64xf32, #tpu.memory_space<vmem>>
          %dma_start3A_555 = arith.constant 0 : i32
          %dma_start3A_556 = tpu.memref_slice %arg3[%squeeze3A_544, %dma_start3A_555] : memref<1000000x64xf32, #tpu.memory_space<hbm>> -> memref<1x64xf32, #tpu.memory_space<hbm>>
          tpu.enqueue_dma source(%dma_start3A_556 : memref<1x64xf32, #tpu.memory_space<hbm>>) target(%dma_start3A_554 : memref<1x64xf32, #tpu.memory_space<vmem>>) target_semaphore(%arg14 : memref<!tpu.dma_semaphore, #tpu.memory_space<semaphore_mem>>)
          %slice3A_557 = vector.extract_strided_slice %get3A_432 {offsets = [9], sizes = [1], strides = [1]} : vector<16xi32> to vector<1xi32>
          %squeeze3A_558 = vector.extract %slice3A_557[0] : i32 from vector<1xi32>
          %mul3A_559 = arith.constant 16 : i32
          %mul3A_560 = arith.muli %scan3A_412, %mul3A_559 : i32
          %add3A_561 = arith.constant 9 : i32
          %add3A_562 = arith.addi %mul3A_560, %add3A_561 : i32
          %dma_start3A_563 = arith.constant 0 : i32
          %dma_start3A_564 = tpu.memref_slice %arg8[%add3A_562, %dma_start3A_563] : memref<256x64xf32, #tpu.memory_space<vmem>> -> memref<1x64xf32, #tpu.memory_space<vmem>>
          %dma_start3A_565 = arith.constant 0 : i32
          %dma_start3A_566 = tpu.memref_slice %arg3[%squeeze3A_558, %dma_start3A_565] : memref<1000000x64xf32, #tpu.memory_space<hbm>> -> memref<1x64xf32, #tpu.memory_space<hbm>>
          %dma_start3A_567 = arith.constant 0 : i32
          %dma_start3A_568 = tpu.memref_slice %arg8[%add3A_562, %dma_start3A_567] : memref<256x64xf32, #tpu.memory_space<vmem>> -> memref<1x64xf32, #tpu.memory_space<vmem>>
          %dma_start3A_569 = arith.constant 0 : i32
          %dma_start3A_570 = tpu.memref_slice %arg3[%squeeze3A_558, %dma_start3A_569] : memref<1000000x64xf32, #tpu.memory_space<hbm>> -> memref<1x64xf32, #tpu.memory_space<hbm>>
          tpu.enqueue_dma source(%dma_start3A_570 : memref<1x64xf32, #tpu.memory_space<hbm>>) target(%dma_start3A_568 : memref<1x64xf32, #tpu.memory_space<vmem>>) target_semaphore(%arg14 : memref<!tpu.dma_semaphore, #tpu.memory_space<semaphore_mem>>)
          %slice3A_571 = vector.extract_strided_slice %get3A_432 {offsets = [10], sizes = [1], strides = [1]} : vector<16xi32> to vector<1xi32>
          %squeeze3A_572 = vector.extract %slice3A_571[0] : i32 from vector<1xi32>
          %mul3A_573 = arith.constant 16 : i32
          %mul3A_574 = arith.muli %scan3A_412, %mul3A_573 : i32
          %add3A_575 = arith.constant 10 : i32
          %add3A_576 = arith.addi %mul3A_574, %add3A_575 : i32
          %dma_start3A_577 = arith.constant 0 : i32
          %dma_start3A_578 = tpu.memref_slice %arg8[%add3A_576, %dma_start3A_577] : memref<256x64xf32, #tpu.memory_space<vmem>> -> memref<1x64xf32, #tpu.memory_space<vmem>>
          %dma_start3A_579 = arith.constant 0 : i32
          %dma_start3A_580 = tpu.memref_slice %arg3[%squeeze3A_572, %dma_start3A_579] : memref<1000000x64xf32, #tpu.memory_space<hbm>> -> memref<1x64xf32, #tpu.memory_space<hbm>>
          %dma_start3A_581 = arith.constant 0 : i32
          %dma_start3A_582 = tpu.memref_slice %arg8[%add3A_576, %dma_start3A_581] : memref<256x64xf32, #tpu.memory_space<vmem>> -> memref<1x64xf32, #tpu.memory_space<vmem>>
          %dma_start3A_583 = arith.constant 0 : i32
          %dma_start3A_584 = tpu.memref_slice %arg3[%squeeze3A_572, %dma_start3A_583] : memref<1000000x64xf32, #tpu.memory_space<hbm>> -> memref<1x64xf32, #tpu.memory_space<hbm>>
          tpu.enqueue_dma source(%dma_start3A_584 : memref<1x64xf32, #tpu.memory_space<hbm>>) target(%dma_start3A_582 : memref<1x64xf32, #tpu.memory_space<vmem>>) target_semaphore(%arg14 : memref<!tpu.dma_semaphore, #tpu.memory_space<semaphore_mem>>)
          %slice3A_585 = vector.extract_strided_slice %get3A_432 {offsets = [11], sizes = [1], strides = [1]} : vector<16xi32> to vector<1xi32>
          %squeeze3A_586 = vector.extract %slice3A_585[0] : i32 from vector<1xi32>
          %mul3A_587 = arith.constant 16 : i32
          %mul3A_588 = arith.muli %scan3A_412, %mul3A_587 : i32
          %add3A_589 = arith.constant 11 : i32
          %add3A_590 = arith.addi %mul3A_588, %add3A_589 : i32
          %dma_start3A_591 = arith.constant 0 : i32
          %dma_start3A_592 = tpu.memref_slice %arg8[%add3A_590, %dma_start3A_591] : memref<256x64xf32, #tpu.memory_space<vmem>> -> memref<1x64xf32, #tpu.memory_space<vmem>>
          %dma_start3A_593 = arith.constant 0 : i32
          %dma_start3A_594 = tpu.memref_slice %arg3[%squeeze3A_586, %dma_start3A_593] : memref<1000000x64xf32, #tpu.memory_space<hbm>> -> memref<1x64xf32, #tpu.memory_space<hbm>>
          %dma_start3A_595 = arith.constant 0 : i32
          %dma_start3A_596 = tpu.memref_slice %arg8[%add3A_590, %dma_start3A_595] : memref<256x64xf32, #tpu.memory_space<vmem>> -> memref<1x64xf32, #tpu.memory_space<vmem>>
          %dma_start3A_597 = arith.constant 0 : i32
          %dma_start3A_598 = tpu.memref_slice %arg3[%squeeze3A_586, %dma_start3A_597] : memref<1000000x64xf32, #tpu.memory_space<hbm>> -> memref<1x64xf32, #tpu.memory_space<hbm>>
          tpu.enqueue_dma source(%dma_start3A_598 : memref<1x64xf32, #tpu.memory_space<hbm>>) target(%dma_start3A_596 : memref<1x64xf32, #tpu.memory_space<vmem>>) target_semaphore(%arg14 : memref<!tpu.dma_semaphore, #tpu.memory_space<semaphore_mem>>)
          %slice3A_599 = vector.extract_strided_slice %get3A_432 {offsets = [12], sizes = [1], strides = [1]} : vector<16xi32> to vector<1xi32>
          %squeeze3A_600 = vector.extract %slice3A_599[0] : i32 from vector<1xi32>
          %mul3A_601 = arith.constant 16 : i32
          %mul3A_602 = arith.muli %scan3A_412, %mul3A_601 : i32
          %add3A_603 = arith.constant 12 : i32
          %add3A_604 = arith.addi %mul3A_602, %add3A_603 : i32
          %dma_start3A_605 = arith.constant 0 : i32
          %dma_start3A_606 = tpu.memref_slice %arg8[%add3A_604, %dma_start3A_605] : memref<256x64xf32, #tpu.memory_space<vmem>> -> memref<1x64xf32, #tpu.memory_space<vmem>>
          %dma_start3A_607 = arith.constant 0 : i32
          %dma_start3A_608 = tpu.memref_slice %arg3[%squeeze3A_600, %dma_start3A_607] : memref<1000000x64xf32, #tpu.memory_space<hbm>> -> memref<1x64xf32, #tpu.memory_space<hbm>>
          %dma_start3A_609 = arith.constant 0 : i32
          %dma_start3A_610 = tpu.memref_slice %arg8[%add3A_604, %dma_start3A_609] : memref<256x64xf32, #tpu.memory_space<vmem>> -> memref<1x64xf32, #tpu.memory_space<vmem>>
          %dma_start3A_611 = arith.constant 0 : i32
          %dma_start3A_612 = tpu.memref_slice %arg3[%squeeze3A_600, %dma_start3A_611] : memref<1000000x64xf32, #tpu.memory_space<hbm>> -> memref<1x64xf32, #tpu.memory_space<hbm>>
          tpu.enqueue_dma source(%dma_start3A_612 : memref<1x64xf32, #tpu.memory_space<hbm>>) target(%dma_start3A_610 : memref<1x64xf32, #tpu.memory_space<vmem>>) target_semaphore(%arg14 : memref<!tpu.dma_semaphore, #tpu.memory_space<semaphore_mem>>)
          %slice3A_613 = vector.extract_strided_slice %get3A_432 {offsets = [13], sizes = [1], strides = [1]} : vector<16xi32> to vector<1xi32>
          %squeeze3A_614 = vector.extract %slice3A_613[0] : i32 from vector<1xi32>
          %mul3A_615 = arith.constant 16 : i32
          %mul3A_616 = arith.muli %scan3A_412, %mul3A_615 : i32
          %add3A_617 = arith.constant 13 : i32
          %add3A_618 = arith.addi %mul3A_616, %add3A_617 : i32
          %dma_start3A_619 = arith.constant 0 : i32
          %dma_start3A_620 = tpu.memref_slice %arg8[%add3A_618, %dma_start3A_619] : memref<256x64xf32, #tpu.memory_space<vmem>> -> memref<1x64xf32, #tpu.memory_space<vmem>>
          %dma_start3A_621 = arith.constant 0 : i32
          %dma_start3A_622 = tpu.memref_slice %arg3[%squeeze3A_614, %dma_start3A_621] : memref<1000000x64xf32, #tpu.memory_space<hbm>> -> memref<1x64xf32, #tpu.memory_space<hbm>>
          %dma_start3A_623 = arith.constant 0 : i32
          %dma_start3A_624 = tpu.memref_slice %arg8[%add3A_618, %dma_start3A_623] : memref<256x64xf32, #tpu.memory_space<vmem>> -> memref<1x64xf32, #tpu.memory_space<vmem>>
          %dma_start3A_625 = arith.constant 0 : i32
          %dma_start3A_626 = tpu.memref_slice %arg3[%squeeze3A_614, %dma_start3A_625] : memref<1000000x64xf32, #tpu.memory_space<hbm>> -> memref<1x64xf32, #tpu.memory_space<hbm>>
          tpu.enqueue_dma source(%dma_start3A_626 : memref<1x64xf32, #tpu.memory_space<hbm>>) target(%dma_start3A_624 : memref<1x64xf32, #tpu.memory_space<vmem>>) target_semaphore(%arg14 : memref<!tpu.dma_semaphore, #tpu.memory_space<semaphore_mem>>)
          %slice3A_627 = vector.extract_strided_slice %get3A_432 {offsets = [14], sizes = [1], strides = [1]} : vector<16xi32> to vector<1xi32>
          %squeeze3A_628 = vector.extract %slice3A_627[0] : i32 from vector<1xi32>
          %mul3A_629 = arith.constant 16 : i32
          %mul3A_630 = arith.muli %scan3A_412, %mul3A_629 : i32
          %add3A_631 = arith.constant 14 : i32
          %add3A_632 = arith.addi %mul3A_630, %add3A_631 : i32
          %dma_start3A_633 = arith.constant 0 : i32
          %dma_start3A_634 = tpu.memref_slice %arg8[%add3A_632, %dma_start3A_633] : memref<256x64xf32, #tpu.memory_space<vmem>> -> memref<1x64xf32, #tpu.memory_space<vmem>>
          %dma_start3A_635 = arith.constant 0 : i32
          %dma_start3A_636 = tpu.memref_slice %arg3[%squeeze3A_628, %dma_start3A_635] : memref<1000000x64xf32, #tpu.memory_space<hbm>> -> memref<1x64xf32, #tpu.memory_space<hbm>>
          %dma_start3A_637 = arith.constant 0 : i32
          %dma_start3A_638 = tpu.memref_slice %arg8[%add3A_632, %dma_start3A_637] : memref<256x64xf32, #tpu.memory_space<vmem>> -> memref<1x64xf32, #tpu.memory_space<vmem>>
          %dma_start3A_639 = arith.constant 0 : i32
          %dma_start3A_640 = tpu.memref_slice %arg3[%squeeze3A_628, %dma_start3A_639] : memref<1000000x64xf32, #tpu.memory_space<hbm>> -> memref<1x64xf32, #tpu.memory_space<hbm>>
          tpu.enqueue_dma source(%dma_start3A_640 : memref<1x64xf32, #tpu.memory_space<hbm>>) target(%dma_start3A_638 : memref<1x64xf32, #tpu.memory_space<vmem>>) target_semaphore(%arg14 : memref<!tpu.dma_semaphore, #tpu.memory_space<semaphore_mem>>)
          %slice3A_641 = vector.extract_strided_slice %get3A_432 {offsets = [15], sizes = [1], strides = [1]} : vector<16xi32> to vector<1xi32>
          %squeeze3A_642 = vector.extract %slice3A_641[0] : i32 from vector<1xi32>
          %mul3A_643 = arith.constant 16 : i32
          %mul3A_644 = arith.muli %scan3A_412, %mul3A_643 : i32
          %add3A_645 = arith.constant 15 : i32
          %add3A_646 = arith.addi %mul3A_644, %add3A_645 : i32
          %dma_start3A_647 = arith.constant 0 : i32
          %dma_start3A_648 = tpu.memref_slice %arg8[%add3A_646, %dma_start3A_647] : memref<256x64xf32, #tpu.memory_space<vmem>> -> memref<1x64xf32, #tpu.memory_space<vmem>>
          %dma_start3A_649 = arith.constant 0 : i32
          %dma_start3A_650 = tpu.memref_slice %arg3[%squeeze3A_642, %dma_start3A_649] : memref<1000000x64xf32, #tpu.memory_space<hbm>> -> memref<1x64xf32, #tpu.memory_space<hbm>>
          %dma_start3A_651 = arith.constant 0 : i32
          %dma_start3A_652 = tpu.memref_slice %arg8[%add3A_646, %dma_start3A_651] : memref<256x64xf32, #tpu.memory_space<vmem>> -> memref<1x64xf32, #tpu.memory_space<vmem>>
          %dma_start3A_653 = arith.constant 0 : i32
          %dma_start3A_654 = tpu.memref_slice %arg3[%squeeze3A_642, %dma_start3A_653] : memref<1000000x64xf32, #tpu.memory_space<hbm>> -> memref<1x64xf32, #tpu.memory_space<hbm>>
          tpu.enqueue_dma source(%dma_start3A_654 : memref<1x64xf32, #tpu.memory_space<hbm>>) target(%dma_start3A_652 : memref<1x64xf32, #tpu.memory_space<vmem>>) target_semaphore(%arg14 : memref<!tpu.dma_semaphore, #tpu.memory_space<semaphore_mem>>)
        } else {
        }
      }
      %scan3A_272 = arith.constant 64 : i32
      %jit3A_273 = arith.constant 16 : i32
      %div3A_274 = arith.divsi %add3A_251, %jit3A_273 : i32
      %sign3A_275 = arith.constant 0 : i32
      %sign3A_276 = arith.cmpi sgt, %add3A_251, %sign3A_275 : i32
      %sign3A_277 = arith.extui %sign3A_276 : i1 to i32
      %sign3A_278 = arith.constant 0 : i32
      %sign3A_279 = arith.cmpi slt, %add3A_251, %sign3A_278 : i32
      %sign3A_280 = arith.extui %sign3A_279 : i1 to i32
      %sign3A_281 = arith.subi %sign3A_277, %sign3A_280 : i32
      %sign3A_282 = arith.constant 0 : i32
      %sign3A_283 = arith.cmpi sgt, %jit3A_273, %sign3A_282 : i32
      %sign3A_284 = arith.extui %sign3A_283 : i1 to i32
      %sign3A_285 = arith.constant 0 : i32
      %sign3A_286 = arith.cmpi slt, %jit3A_273, %sign3A_285 : i32
      %sign3A_287 = arith.extui %sign3A_286 : i1 to i32
      %sign3A_288 = arith.subi %sign3A_284, %sign3A_287 : i32
      %ne3A_289 = arith.cmpi ne, %sign3A_281, %sign3A_288 : i32
      %rem3A_290 = arith.remsi %add3A_251, %jit3A_273 : i32
      %ne3A_291 = arith.constant 0 : i32
      %ne3A_292 = arith.cmpi ne, %rem3A_290, %ne3A_291 : i32
      %and3A_293 = arith.andi %ne3A_289, %ne3A_292 : i1
      %sub3A_294 = arith.constant 1 : i32
      %sub3A_295 = arith.subi %div3A_274, %sub3A_294 : i32
      %select_n3A_296 = arith.select %and3A_293, %sub3A_295, %div3A_274 : i32
      %jit3A_297 = arith.constant 16 : i32
      %eq3A_298 = arith.constant 0 : i32
      %eq3A_299 = arith.cmpi eq, %jit3A_297, %eq3A_298 : i32
      %jit3A_300 = arith.constant 1 : i32
      %select_n3A_301 = arith.select %eq3A_299, %jit3A_300, %jit3A_297 : i32
      %rem3A_302 = arith.remsi %add3A_251, %select_n3A_301 : i32
      %ne3A_303 = arith.constant 0 : i32
      %ne3A_304 = arith.cmpi ne, %rem3A_302, %ne3A_303 : i32
      %lt3A_305 = arith.constant 0 : i32
      %lt3A_306 = arith.cmpi slt, %rem3A_302, %lt3A_305 : i32
      %lt3A_307 = arith.constant 0 : i32
      %lt3A_308 = arith.cmpi slt, %select_n3A_301, %lt3A_307 : i32
      %ne3A_309 = arith.xori %lt3A_306, %lt3A_308 : i1
      %and3A_310 = arith.andi %ne3A_309, %ne3A_304 : i1
      %add3A_311 = arith.addi %rem3A_302, %select_n3A_301 : i32
      %select_n3A_312 = arith.select %and3A_310, %add3A_311, %rem3A_302 : i32
      %mul3A_313 = arith.constant 256 : i32
      %mul3A_314 = arith.muli %select_n3A_312, %mul3A_313 : i32
      %dma_start3A_315 = arith.constant 0 : i32
      %dma_start3A_316 = tpu.memref_slice %arg4[%select_n3A_296, %dma_start3A_315, %mul3A_314] : memref<200x64x4096xf32, #tpu.memory_space<hbm>> -> memref<1x64x256xf32, #tpu.memory_space<hbm>>
      %dma_start3A_317 = tpu.memref_squeeze %dma_start3A_316 : memref<1x64x256xf32, #tpu.memory_space<hbm>> -> memref<64x256xf32, #tpu.memory_space<hbm>>
      %dma_start3A_318 = arith.constant 0 : i32
      %dma_start3A_319 = tpu.memref_slice %arg4[%select_n3A_296, %dma_start3A_318, %mul3A_314] : memref<200x64x4096xf32, #tpu.memory_space<hbm>> -> memref<1x64x256xf32, #tpu.memory_space<hbm>>
      %dma_start3A_320 = tpu.memref_squeeze %dma_start3A_319 : memref<1x64x256xf32, #tpu.memory_space<hbm>> -> memref<64x256xf32, #tpu.memory_space<hbm>>
      tpu.enqueue_dma source(%arg9 : memref<64x256xf32, #tpu.memory_space<vmem>>) target(%dma_start3A_320 : memref<64x256xf32, #tpu.memory_space<hbm>>) target_semaphore(%arg15 : memref<!tpu.dma_semaphore, #tpu.memory_space<semaphore_mem>>)
      %add3A_321 = arith.constant 2 : i32
      %add3A_322 = arith.addi %add3A_250, %add3A_321 : i32
      %lt3A_323 = arith.constant 100 : i32
      %lt3A_324 = arith.cmpi slt, %add3A_322, %lt3A_323 : i32
      %convert_element_type3A_325 = arith.extui %lt3A_324 : i1 to i32
      %cond3A_326 = arith.constant 0 : i32
      %cond3A_327 = arith.cmpi ne, %convert_element_type3A_325, %cond3A_326 : i32
      scf.if %cond3A_327 {
        %add3A_412 = arith.constant 2 : i32
        %add3A_413 = arith.addi %add3A_251, %add3A_412 : i32
        %jit3A_414 = arith.constant 16 : i32
        %div3A_415 = arith.divsi %add3A_413, %jit3A_414 : i32
        %sign3A_416 = arith.constant 0 : i32
        %sign3A_417 = arith.cmpi sgt, %add3A_413, %sign3A_416 : i32
        %sign3A_418 = arith.extui %sign3A_417 : i1 to i32
        %sign3A_419 = arith.constant 0 : i32
        %sign3A_420 = arith.cmpi slt, %add3A_413, %sign3A_419 : i32
        %sign3A_421 = arith.extui %sign3A_420 : i1 to i32
        %sign3A_422 = arith.subi %sign3A_418, %sign3A_421 : i32
        %sign3A_423 = arith.constant 0 : i32
        %sign3A_424 = arith.cmpi sgt, %jit3A_414, %sign3A_423 : i32
        %sign3A_425 = arith.extui %sign3A_424 : i1 to i32
        %sign3A_426 = arith.constant 0 : i32
        %sign3A_427 = arith.cmpi slt, %jit3A_414, %sign3A_426 : i32
        %sign3A_428 = arith.extui %sign3A_427 : i1 to i32
        %sign3A_429 = arith.subi %sign3A_425, %sign3A_428 : i32
        %ne3A_430 = arith.cmpi ne, %sign3A_422, %sign3A_429 : i32
        %rem3A_431 = arith.remsi %add3A_413, %jit3A_414 : i32
        %ne3A_432 = arith.constant 0 : i32
        %ne3A_433 = arith.cmpi ne, %rem3A_431, %ne3A_432 : i32
        %and3A_434 = arith.andi %ne3A_430, %ne3A_433 : i1
        %sub3A_435 = arith.constant 1 : i32
        %sub3A_436 = arith.subi %div3A_415, %sub3A_435 : i32
        %select_n3A_437 = arith.select %and3A_434, %sub3A_436, %div3A_415 : i32
        %jit3A_438 = arith.constant 16 : i32
        %eq3A_439 = arith.constant 0 : i32
        %eq3A_440 = arith.cmpi eq, %jit3A_438, %eq3A_439 : i32
        %jit3A_441 = arith.constant 1 : i32
        %select_n3A_442 = arith.select %eq3A_440, %jit3A_441, %jit3A_438 : i32
        %rem3A_443 = arith.remsi %add3A_413, %select_n3A_442 : i32
        %ne3A_444 = arith.constant 0 : i32
        %ne3A_445 = arith.cmpi ne, %rem3A_443, %ne3A_444 : i32
        %lt3A_446 = arith.constant 0 : i32
        %lt3A_447 = arith.cmpi slt, %rem3A_443, %lt3A_446 : i32
        %lt3A_448 = arith.constant 0 : i32
        %lt3A_449 = arith.cmpi slt, %select_n3A_442, %lt3A_448 : i32
        %ne3A_450 = arith.xori %lt3A_447, %lt3A_449 : i1
        %and3A_451 = arith.andi %ne3A_450, %ne3A_445 : i1
        %add3A_452 = arith.addi %rem3A_443, %select_n3A_442 : i32
        %select_n3A_453 = arith.select %and3A_451, %add3A_452, %rem3A_443 : i32
        %mul3A_454 = arith.constant 256 : i32
        %mul3A_455 = arith.muli %select_n3A_453, %mul3A_454 : i32
        %dma_start3A_456 = tpu.memref_slice %arg2[%select_n3A_437, %mul3A_455] : memref<200x4096xi32, #tpu.memory_space<hbm>> -> memref<1x256xi32, #tpu.memory_space<hbm>>
        %dma_start3A_457 = tpu.memref_squeeze %dma_start3A_456 : memref<1x256xi32, #tpu.memory_space<hbm>> -> memref<256xi32, #tpu.memory_space<hbm>>
        %dma_start3A_458 = tpu.memref_slice %arg2[%select_n3A_437, %mul3A_455] : memref<200x4096xi32, #tpu.memory_space<hbm>> -> memref<1x256xi32, #tpu.memory_space<hbm>>
        %dma_start3A_459 = tpu.memref_squeeze %dma_start3A_458 : memref<1x256xi32, #tpu.memory_space<hbm>> -> memref<256xi32, #tpu.memory_space<hbm>>
        tpu.enqueue_dma source(%dma_start3A_459 : memref<256xi32, #tpu.memory_space<hbm>>) target(%arg5 : memref<256xi32, #tpu.memory_space<vmem>>) target_semaphore(%arg11 : memref<!tpu.dma_semaphore, #tpu.memory_space<semaphore_mem>>)
      } else {
      }
      %mul3A_328 = arith.constant 2 : i32
      %mul3A_329 = arith.muli %scan3A_246, %mul3A_328 : i32
      %add3A_330 = arith.constant 1 : i32
      %add3A_331 = arith.addi %mul3A_329, %add3A_330 : i32
      %add3A_332 = arith.addi %mul3A_2, %add3A_331 : i32
      %add3A_333 = arith.constant 1 : i32
      %add3A_334 = arith.addi %add3A_331, %add3A_333 : i32
      %lt3A_335 = arith.constant 100 : i32
      %lt3A_336 = arith.cmpi slt, %add3A_334, %lt3A_335 : i32
      %convert_element_type3A_337 = arith.extui %lt3A_336 : i1 to i32
      %cond3A_338 = arith.constant 0 : i32
      %cond3A_339 = arith.cmpi ne, %convert_element_type3A_337, %cond3A_338 : i32
      scf.if %cond3A_339 {
        %add3A_412 = arith.constant 1 : i32
        %add3A_413 = arith.addi %add3A_332, %add3A_412 : i32
        %jit3A_414 = arith.constant 16 : i32
        %div3A_415 = arith.divsi %add3A_413, %jit3A_414 : i32
        %sign3A_416 = arith.constant 0 : i32
        %sign3A_417 = arith.cmpi sgt, %add3A_413, %sign3A_416 : i32
        %sign3A_418 = arith.extui %sign3A_417 : i1 to i32
        %sign3A_419 = arith.constant 0 : i32
        %sign3A_420 = arith.cmpi slt, %add3A_413, %sign3A_419 : i32
        %sign3A_421 = arith.extui %sign3A_420 : i1 to i32
        %sign3A_422 = arith.subi %sign3A_418, %sign3A_421 : i32
        %sign3A_423 = arith.constant 0 : i32
        %sign3A_424 = arith.cmpi sgt, %jit3A_414, %sign3A_423 : i32
        %sign3A_425 = arith.extui %sign3A_424 : i1 to i32
        %sign3A_426 = arith.constant 0 : i32
        %sign3A_427 = arith.cmpi slt, %jit3A_414, %sign3A_426 : i32
        %sign3A_428 = arith.extui %sign3A_427 : i1 to i32
        %sign3A_429 = arith.subi %sign3A_425, %sign3A_428 : i32
        %ne3A_430 = arith.cmpi ne, %sign3A_422, %sign3A_429 : i32
        %rem3A_431 = arith.remsi %add3A_413, %jit3A_414 : i32
        %ne3A_432 = arith.constant 0 : i32
        %ne3A_433 = arith.cmpi ne, %rem3A_431, %ne3A_432 : i32
        %and3A_434 = arith.andi %ne3A_430, %ne3A_433 : i1
        %sub3A_435 = arith.constant 1 : i32
        %sub3A_436 = arith.subi %div3A_415, %sub3A_435 : i32
        %select_n3A_437 = arith.select %and3A_434, %sub3A_436, %div3A_415 : i32
        %jit3A_438 = arith.constant 16 : i32
        %eq3A_439 = arith.constant 0 : i32
        %eq3A_440 = arith.cmpi eq, %jit3A_438, %eq3A_439 : i32
        %jit3A_441 = arith.constant 1 : i32
        %select_n3A_442 = arith.select %eq3A_440, %jit3A_441, %jit3A_438 : i32
        %rem3A_443 = arith.remsi %add3A_413, %select_n3A_442 : i32
        %ne3A_444 = arith.constant 0 : i32
        %ne3A_445 = arith.cmpi ne, %rem3A_443, %ne3A_444 : i32
        %lt3A_446 = arith.constant 0 : i32
        %lt3A_447 = arith.cmpi slt, %rem3A_443, %lt3A_446 : i32
        %lt3A_448 = arith.constant 0 : i32
        %lt3A_449 = arith.cmpi slt, %select_n3A_442, %lt3A_448 : i32
        %ne3A_450 = arith.xori %lt3A_447, %lt3A_449 : i1
        %and3A_451 = arith.andi %ne3A_450, %ne3A_445 : i1
        %add3A_452 = arith.addi %rem3A_443, %select_n3A_442 : i32
        %select_n3A_453 = arith.select %and3A_451, %add3A_452, %rem3A_443 : i32
        %mul3A_454 = arith.constant 256 : i32
        %mul3A_455 = arith.muli %select_n3A_453, %mul3A_454 : i32
        %dma_wait3A_456 = tpu.memref_slice %arg2[%select_n3A_437, %mul3A_455] : memref<200x4096xi32, #tpu.memory_space<hbm>> -> memref<1x256xi32, #tpu.memory_space<hbm>>
        %dma_wait3A_457 = tpu.memref_squeeze %dma_wait3A_456 : memref<1x256xi32, #tpu.memory_space<hbm>> -> memref<256xi32, #tpu.memory_space<hbm>>
        %dma_wait3A_458 = tpu.memref_slice %arg2[%select_n3A_437, %mul3A_455] : memref<200x4096xi32, #tpu.memory_space<hbm>> -> memref<1x256xi32, #tpu.memory_space<hbm>>
        %dma_wait3A_459 = tpu.memref_squeeze %dma_wait3A_458 : memref<1x256xi32, #tpu.memory_space<hbm>> -> memref<256xi32, #tpu.memory_space<hbm>>
        tpu.wait_dma2 semaphore(%arg11 : memref<!tpu.dma_semaphore, #tpu.memory_space<semaphore_mem>>) src(%dma_wait3A_459 : memref<256xi32, #tpu.memory_space<hbm>>) dst(%arg5 : memref<256xi32, #tpu.memory_space<vmem>>)
      } else {
      }
      %dma_wait3A_340 = arith.constant 0 : i32
      %dma_wait3A_341 = arith.constant 0 : i32
      %dma_wait3A_342 = tpu.memref_slice %arg3[%dma_wait3A_340, %dma_wait3A_341] : memref<1000000x64xf32, #tpu.memory_space<hbm>> -> memref<256x64xf32, #tpu.memory_space<hbm>>
      %dma_wait3A_343 = arith.constant 0 : i32
      %dma_wait3A_344 = arith.constant 0 : i32
      %dma_wait3A_345 = tpu.memref_slice %arg3[%dma_wait3A_343, %dma_wait3A_344] : memref<1000000x64xf32, #tpu.memory_space<hbm>> -> memref<256x64xf32, #tpu.memory_space<hbm>>
      tpu.wait_dma2 semaphore(%arg14 : memref<!tpu.dma_semaphore, #tpu.memory_space<semaphore_mem>>) src(%dma_wait3A_345 : memref<256x64xf32, #tpu.memory_space<hbm>>) dst(%arg8 : memref<256x64xf32, #tpu.memory_space<vmem>>)
      %ge3A_346 = arith.constant 2 : i32
      %ge3A_347 = arith.cmpi sge, %add3A_331, %ge3A_346 : i32
      %convert_element_type3A_348 = arith.extui %ge3A_347 : i1 to i32
      %cond3A_349 = arith.constant 0 : i32
      %cond3A_350 = arith.cmpi ne, %convert_element_type3A_348, %cond3A_349 : i32
      scf.if %cond3A_350 {
        %sub3A_412 = arith.constant 2 : i32
        %sub3A_413 = arith.subi %add3A_332, %sub3A_412 : i32
        %jit3A_414 = arith.constant 16 : i32
        %div3A_415 = arith.divsi %sub3A_413, %jit3A_414 : i32
        %sign3A_416 = arith.constant 0 : i32
        %sign3A_417 = arith.cmpi sgt, %sub3A_413, %sign3A_416 : i32
        %sign3A_418 = arith.extui %sign3A_417 : i1 to i32
        %sign3A_419 = arith.constant 0 : i32
        %sign3A_420 = arith.cmpi slt, %sub3A_413, %sign3A_419 : i32
        %sign3A_421 = arith.extui %sign3A_420 : i1 to i32
        %sign3A_422 = arith.subi %sign3A_418, %sign3A_421 : i32
        %sign3A_423 = arith.constant 0 : i32
        %sign3A_424 = arith.cmpi sgt, %jit3A_414, %sign3A_423 : i32
        %sign3A_425 = arith.extui %sign3A_424 : i1 to i32
        %sign3A_426 = arith.constant 0 : i32
        %sign3A_427 = arith.cmpi slt, %jit3A_414, %sign3A_426 : i32
        %sign3A_428 = arith.extui %sign3A_427 : i1 to i32
        %sign3A_429 = arith.subi %sign3A_425, %sign3A_428 : i32
        %ne3A_430 = arith.cmpi ne, %sign3A_422, %sign3A_429 : i32
        %rem3A_431 = arith.remsi %sub3A_413, %jit3A_414 : i32
        %ne3A_432 = arith.constant 0 : i32
        %ne3A_433 = arith.cmpi ne, %rem3A_431, %ne3A_432 : i32
        %and3A_434 = arith.andi %ne3A_430, %ne3A_433 : i1
        %sub3A_435 = arith.constant 1 : i32
        %sub3A_436 = arith.subi %div3A_415, %sub3A_435 : i32
        %select_n3A_437 = arith.select %and3A_434, %sub3A_436, %div3A_415 : i32
        %jit3A_438 = arith.constant 16 : i32
        %eq3A_439 = arith.constant 0 : i32
        %eq3A_440 = arith.cmpi eq, %jit3A_438, %eq3A_439 : i32
        %jit3A_441 = arith.constant 1 : i32
        %select_n3A_442 = arith.select %eq3A_440, %jit3A_441, %jit3A_438 : i32
        %rem3A_443 = arith.remsi %sub3A_413, %select_n3A_442 : i32
        %ne3A_444 = arith.constant 0 : i32
        %ne3A_445 = arith.cmpi ne, %rem3A_443, %ne3A_444 : i32
        %lt3A_446 = arith.constant 0 : i32
        %lt3A_447 = arith.cmpi slt, %rem3A_443, %lt3A_446 : i32
        %lt3A_448 = arith.constant 0 : i32
        %lt3A_449 = arith.cmpi slt, %select_n3A_442, %lt3A_448 : i32
        %ne3A_450 = arith.xori %lt3A_447, %lt3A_449 : i1
        %and3A_451 = arith.andi %ne3A_450, %ne3A_445 : i1
        %add3A_452 = arith.addi %rem3A_443, %select_n3A_442 : i32
        %select_n3A_453 = arith.select %and3A_451, %add3A_452, %rem3A_443 : i32
        %mul3A_454 = arith.constant 256 : i32
        %mul3A_455 = arith.muli %select_n3A_453, %mul3A_454 : i32
        %dma_wait3A_456 = arith.constant 0 : i32
        %dma_wait3A_457 = tpu.memref_slice %arg4[%select_n3A_437, %dma_wait3A_456, %mul3A_455] : memref<200x64x4096xf32, #tpu.memory_space<hbm>> -> memref<1x64x256xf32, #tpu.memory_space<hbm>>
        %dma_wait3A_458 = tpu.memref_squeeze %dma_wait3A_457 : memref<1x64x256xf32, #tpu.memory_space<hbm>> -> memref<64x256xf32, #tpu.memory_space<hbm>>
        %dma_wait3A_459 = arith.constant 0 : i32
        %dma_wait3A_460 = tpu.memref_slice %arg4[%select_n3A_437, %dma_wait3A_459, %mul3A_455] : memref<200x64x4096xf32, #tpu.memory_space<hbm>> -> memref<1x64x256xf32, #tpu.memory_space<hbm>>
        %dma_wait3A_461 = tpu.memref_squeeze %dma_wait3A_460 : memref<1x64x256xf32, #tpu.memory_space<hbm>> -> memref<64x256xf32, #tpu.memory_space<hbm>>
        tpu.wait_dma2 semaphore(%arg16 : memref<!tpu.dma_semaphore, #tpu.memory_space<semaphore_mem>>) src(%arg10 : memref<64x256xf32, #tpu.memory_space<vmem>>) dst(%dma_wait3A_461 : memref<64x256xf32, #tpu.memory_space<hbm>>)
      } else {
      }
      %scan3A_351 = arith.constant 0 : i32
      %scan3A_352 = arith.constant 0 : i32
      %scan3A_353 = arith.constant 64 : i32
      %scan3A_354 = arith.addi %scan3A_352, %scan3A_353 : i32
      %scan3A_355 = arith.constant 1 : i32
      scf.for %scan3A_412 = %scan3A_352 to %scan3A_354 step %scan3A_355  : i32 {
        %iota3A = tpu.iota {dimensions = array<i32: 0>} : vector<16xi32>
        %add3A_413 = vector.broadcast %scan3A_412 : i32 to vector<16xi32>
        %add3A_414 = arith.addi %add3A_413, %iota3A : vector<16xi32>
        %and3A_415 = arith.constant 63 : i32
        %and3A_416 = vector.broadcast %and3A_415 : i32 to vector<16xi32>
        %and3A_417 = arith.andi %add3A_414, %and3A_416 : vector<16xi32>
        %parallel_loop3A = arith.constant 0 : i32
        %parallel_loop3A_418 = arith.constant 16 : i32
        %parallel_loop3A_419 = arith.constant 1 : i32
        scf.for %parallel_loop3A_430 = %parallel_loop3A to %parallel_loop3A_418 step %parallel_loop3A_419  : i32 {
          %parallel_loop3A_431 = arith.constant 16 : i32
          %parallel_loop3A_432 = arith.muli %parallel_loop3A_430, %parallel_loop3A_431 : i32
          %parallel_loop3A_433 = vector.broadcast %parallel_loop3A_432 : i32 to vector<16xi32>
          %parallel_loop3A_434 = arith.addi %iota3A, %parallel_loop3A_433 : vector<16xi32>
          %parallel_loop3A_435 = tpu.vector_load_idx %arg8[%parallel_loop3A_434, %and3A_417] : memref<256x64xf32, #tpu.memory_space<vmem>>[vector<16xi32>, vector<16xi32>], vector<16xf32>,
          %parallel_loop3A_436 = arith.constant 8.000000e+00 : f32
          %parallel_loop3A_437 = vector.broadcast %parallel_loop3A_436 : f32 to vector<16xf32>
          %parallel_loop3A_438 = arith.mulf %parallel_loop3A_435, %parallel_loop3A_437 : vector<16xf32>
          tpu.vector_store_idx %arg10[%and3A_417, %parallel_loop3A_434], %parallel_loop3A_438 : memref<64x256xf32, #tpu.memory_space<vmem>>[vector<16xi32>, vector<16xi32>], vector<16xf32>,
        } {sc.loop_unroll_factor = 4 : i64, sc.parallel_access}
        %lt3A_420 = arith.constant 16 : i32
        %lt3A_421 = arith.cmpi slt, %scan3A_412, %lt3A_420 : i32
        %add3A_422 = arith.constant 1 : i32
        %add3A_423 = arith.addi %add3A_331, %add3A_422 : i32
        %lt3A_424 = arith.constant 100 : i32
        %lt3A_425 = arith.cmpi slt, %add3A_423, %lt3A_424 : i32
        %and3A_426 = arith.andi %lt3A_421, %lt3A_425 : i1
        %convert_element_type3A_427 = arith.extui %and3A_426 : i1 to i32
        %cond3A_428 = arith.constant 0 : i32
        %cond3A_429 = arith.cmpi ne, %convert_element_type3A_427, %cond3A_428 : i32
        scf.if %cond3A_429 {
          %mul3A_430 = arith.constant 16 : i32
          %mul3A_431 = arith.muli %scan3A_412, %mul3A_430 : i32
          %get3A = arith.index_cast %mul3A_431 : i32 to index
          %get3A_432 = tpu.vector_load %arg5[%get3A] {strides = array<i32>} : memref<256xi32, #tpu.memory_space<vmem>>, vector<16xi32>,
          %slice3A = vector.extract_strided_slice %get3A_432 {offsets = [0], sizes = [1], strides = [1]} : vector<16xi32> to vector<1xi32>
          %squeeze3A = vector.extract %slice3A[0] : i32 from vector<1xi32>
          %mul3A_433 = arith.constant 16 : i32
          %mul3A_434 = arith.muli %scan3A_412, %mul3A_433 : i32
          %add3A_435 = arith.constant 0 : i32
          %add3A_436 = arith.addi %mul3A_434, %add3A_435 : i32
          %dma_start3A_437 = arith.constant 0 : i32
          %dma_start3A_438 = tpu.memref_slice %arg7[%add3A_436, %dma_start3A_437] : memref<256x64xf32, #tpu.memory_space<vmem>> -> memref<1x64xf32, #tpu.memory_space<vmem>>
          %dma_start3A_439 = arith.constant 0 : i32
          %dma_start3A_440 = tpu.memref_slice %arg3[%squeeze3A, %dma_start3A_439] : memref<1000000x64xf32, #tpu.memory_space<hbm>> -> memref<1x64xf32, #tpu.memory_space<hbm>>
          %dma_start3A_441 = arith.constant 0 : i32
          %dma_start3A_442 = tpu.memref_slice %arg7[%add3A_436, %dma_start3A_441] : memref<256x64xf32, #tpu.memory_space<vmem>> -> memref<1x64xf32, #tpu.memory_space<vmem>>
          %dma_start3A_443 = arith.constant 0 : i32
          %dma_start3A_444 = tpu.memref_slice %arg3[%squeeze3A, %dma_start3A_443] : memref<1000000x64xf32, #tpu.memory_space<hbm>> -> memref<1x64xf32, #tpu.memory_space<hbm>>
          tpu.enqueue_dma source(%dma_start3A_444 : memref<1x64xf32, #tpu.memory_space<hbm>>) target(%dma_start3A_442 : memref<1x64xf32, #tpu.memory_space<vmem>>) target_semaphore(%arg13 : memref<!tpu.dma_semaphore, #tpu.memory_space<semaphore_mem>>)
          %slice3A_445 = vector.extract_strided_slice %get3A_432 {offsets = [1], sizes = [1], strides = [1]} : vector<16xi32> to vector<1xi32>
          %squeeze3A_446 = vector.extract %slice3A_445[0] : i32 from vector<1xi32>
          %mul3A_447 = arith.constant 16 : i32
          %mul3A_448 = arith.muli %scan3A_412, %mul3A_447 : i32
          %add3A_449 = arith.constant 1 : i32
          %add3A_450 = arith.addi %mul3A_448, %add3A_449 : i32
          %dma_start3A_451 = arith.constant 0 : i32
          %dma_start3A_452 = tpu.memref_slice %arg7[%add3A_450, %dma_start3A_451] : memref<256x64xf32, #tpu.memory_space<vmem>> -> memref<1x64xf32, #tpu.memory_space<vmem>>
          %dma_start3A_453 = arith.constant 0 : i32
          %dma_start3A_454 = tpu.memref_slice %arg3[%squeeze3A_446, %dma_start3A_453] : memref<1000000x64xf32, #tpu.memory_space<hbm>> -> memref<1x64xf32, #tpu.memory_space<hbm>>
          %dma_start3A_455 = arith.constant 0 : i32
          %dma_start3A_456 = tpu.memref_slice %arg7[%add3A_450, %dma_start3A_455] : memref<256x64xf32, #tpu.memory_space<vmem>> -> memref<1x64xf32, #tpu.memory_space<vmem>>
          %dma_start3A_457 = arith.constant 0 : i32
          %dma_start3A_458 = tpu.memref_slice %arg3[%squeeze3A_446, %dma_start3A_457] : memref<1000000x64xf32, #tpu.memory_space<hbm>> -> memref<1x64xf32, #tpu.memory_space<hbm>>
          tpu.enqueue_dma source(%dma_start3A_458 : memref<1x64xf32, #tpu.memory_space<hbm>>) target(%dma_start3A_456 : memref<1x64xf32, #tpu.memory_space<vmem>>) target_semaphore(%arg13 : memref<!tpu.dma_semaphore, #tpu.memory_space<semaphore_mem>>)
          %slice3A_459 = vector.extract_strided_slice %get3A_432 {offsets = [2], sizes = [1], strides = [1]} : vector<16xi32> to vector<1xi32>
          %squeeze3A_460 = vector.extract %slice3A_459[0] : i32 from vector<1xi32>
          %mul3A_461 = arith.constant 16 : i32
          %mul3A_462 = arith.muli %scan3A_412, %mul3A_461 : i32
          %add3A_463 = arith.constant 2 : i32
          %add3A_464 = arith.addi %mul3A_462, %add3A_463 : i32
          %dma_start3A_465 = arith.constant 0 : i32
          %dma_start3A_466 = tpu.memref_slice %arg7[%add3A_464, %dma_start3A_465] : memref<256x64xf32, #tpu.memory_space<vmem>> -> memref<1x64xf32, #tpu.memory_space<vmem>>
          %dma_start3A_467 = arith.constant 0 : i32
          %dma_start3A_468 = tpu.memref_slice %arg3[%squeeze3A_460, %dma_start3A_467] : memref<1000000x64xf32, #tpu.memory_space<hbm>> -> memref<1x64xf32, #tpu.memory_space<hbm>>
          %dma_start3A_469 = arith.constant 0 : i32
          %dma_start3A_470 = tpu.memref_slice %arg7[%add3A_464, %dma_start3A_469] : memref<256x64xf32, #tpu.memory_space<vmem>> -> memref<1x64xf32, #tpu.memory_space<vmem>>
          %dma_start3A_471 = arith.constant 0 : i32
          %dma_start3A_472 = tpu.memref_slice %arg3[%squeeze3A_460, %dma_start3A_471] : memref<1000000x64xf32, #tpu.memory_space<hbm>> -> memref<1x64xf32, #tpu.memory_space<hbm>>
          tpu.enqueue_dma source(%dma_start3A_472 : memref<1x64xf32, #tpu.memory_space<hbm>>) target(%dma_start3A_470 : memref<1x64xf32, #tpu.memory_space<vmem>>) target_semaphore(%arg13 : memref<!tpu.dma_semaphore, #tpu.memory_space<semaphore_mem>>)
          %slice3A_473 = vector.extract_strided_slice %get3A_432 {offsets = [3], sizes = [1], strides = [1]} : vector<16xi32> to vector<1xi32>
          %squeeze3A_474 = vector.extract %slice3A_473[0] : i32 from vector<1xi32>
          %mul3A_475 = arith.constant 16 : i32
          %mul3A_476 = arith.muli %scan3A_412, %mul3A_475 : i32
          %add3A_477 = arith.constant 3 : i32
          %add3A_478 = arith.addi %mul3A_476, %add3A_477 : i32
          %dma_start3A_479 = arith.constant 0 : i32
          %dma_start3A_480 = tpu.memref_slice %arg7[%add3A_478, %dma_start3A_479] : memref<256x64xf32, #tpu.memory_space<vmem>> -> memref<1x64xf32, #tpu.memory_space<vmem>>
          %dma_start3A_481 = arith.constant 0 : i32
          %dma_start3A_482 = tpu.memref_slice %arg3[%squeeze3A_474, %dma_start3A_481] : memref<1000000x64xf32, #tpu.memory_space<hbm>> -> memref<1x64xf32, #tpu.memory_space<hbm>>
          %dma_start3A_483 = arith.constant 0 : i32
          %dma_start3A_484 = tpu.memref_slice %arg7[%add3A_478, %dma_start3A_483] : memref<256x64xf32, #tpu.memory_space<vmem>> -> memref<1x64xf32, #tpu.memory_space<vmem>>
          %dma_start3A_485 = arith.constant 0 : i32
          %dma_start3A_486 = tpu.memref_slice %arg3[%squeeze3A_474, %dma_start3A_485] : memref<1000000x64xf32, #tpu.memory_space<hbm>> -> memref<1x64xf32, #tpu.memory_space<hbm>>
          tpu.enqueue_dma source(%dma_start3A_486 : memref<1x64xf32, #tpu.memory_space<hbm>>) target(%dma_start3A_484 : memref<1x64xf32, #tpu.memory_space<vmem>>) target_semaphore(%arg13 : memref<!tpu.dma_semaphore, #tpu.memory_space<semaphore_mem>>)
          %slice3A_487 = vector.extract_strided_slice %get3A_432 {offsets = [4], sizes = [1], strides = [1]} : vector<16xi32> to vector<1xi32>
          %squeeze3A_488 = vector.extract %slice3A_487[0] : i32 from vector<1xi32>
          %mul3A_489 = arith.constant 16 : i32
          %mul3A_490 = arith.muli %scan3A_412, %mul3A_489 : i32
          %add3A_491 = arith.constant 4 : i32
          %add3A_492 = arith.addi %mul3A_490, %add3A_491 : i32
          %dma_start3A_493 = arith.constant 0 : i32
          %dma_start3A_494 = tpu.memref_slice %arg7[%add3A_492, %dma_start3A_493] : memref<256x64xf32, #tpu.memory_space<vmem>> -> memref<1x64xf32, #tpu.memory_space<vmem>>
          %dma_start3A_495 = arith.constant 0 : i32
          %dma_start3A_496 = tpu.memref_slice %arg3[%squeeze3A_488, %dma_start3A_495] : memref<1000000x64xf32, #tpu.memory_space<hbm>> -> memref<1x64xf32, #tpu.memory_space<hbm>>
          %dma_start3A_497 = arith.constant 0 : i32
          %dma_start3A_498 = tpu.memref_slice %arg7[%add3A_492, %dma_start3A_497] : memref<256x64xf32, #tpu.memory_space<vmem>> -> memref<1x64xf32, #tpu.memory_space<vmem>>
          %dma_start3A_499 = arith.constant 0 : i32
          %dma_start3A_500 = tpu.memref_slice %arg3[%squeeze3A_488, %dma_start3A_499] : memref<1000000x64xf32, #tpu.memory_space<hbm>> -> memref<1x64xf32, #tpu.memory_space<hbm>>
          tpu.enqueue_dma source(%dma_start3A_500 : memref<1x64xf32, #tpu.memory_space<hbm>>) target(%dma_start3A_498 : memref<1x64xf32, #tpu.memory_space<vmem>>) target_semaphore(%arg13 : memref<!tpu.dma_semaphore, #tpu.memory_space<semaphore_mem>>)
          %slice3A_501 = vector.extract_strided_slice %get3A_432 {offsets = [5], sizes = [1], strides = [1]} : vector<16xi32> to vector<1xi32>
          %squeeze3A_502 = vector.extract %slice3A_501[0] : i32 from vector<1xi32>
          %mul3A_503 = arith.constant 16 : i32
          %mul3A_504 = arith.muli %scan3A_412, %mul3A_503 : i32
          %add3A_505 = arith.constant 5 : i32
          %add3A_506 = arith.addi %mul3A_504, %add3A_505 : i32
          %dma_start3A_507 = arith.constant 0 : i32
          %dma_start3A_508 = tpu.memref_slice %arg7[%add3A_506, %dma_start3A_507] : memref<256x64xf32, #tpu.memory_space<vmem>> -> memref<1x64xf32, #tpu.memory_space<vmem>>
          %dma_start3A_509 = arith.constant 0 : i32
          %dma_start3A_510 = tpu.memref_slice %arg3[%squeeze3A_502, %dma_start3A_509] : memref<1000000x64xf32, #tpu.memory_space<hbm>> -> memref<1x64xf32, #tpu.memory_space<hbm>>
          %dma_start3A_511 = arith.constant 0 : i32
          %dma_start3A_512 = tpu.memref_slice %arg7[%add3A_506, %dma_start3A_511] : memref<256x64xf32, #tpu.memory_space<vmem>> -> memref<1x64xf32, #tpu.memory_space<vmem>>
          %dma_start3A_513 = arith.constant 0 : i32
          %dma_start3A_514 = tpu.memref_slice %arg3[%squeeze3A_502, %dma_start3A_513] : memref<1000000x64xf32, #tpu.memory_space<hbm>> -> memref<1x64xf32, #tpu.memory_space<hbm>>
          tpu.enqueue_dma source(%dma_start3A_514 : memref<1x64xf32, #tpu.memory_space<hbm>>) target(%dma_start3A_512 : memref<1x64xf32, #tpu.memory_space<vmem>>) target_semaphore(%arg13 : memref<!tpu.dma_semaphore, #tpu.memory_space<semaphore_mem>>)
          %slice3A_515 = vector.extract_strided_slice %get3A_432 {offsets = [6], sizes = [1], strides = [1]} : vector<16xi32> to vector<1xi32>
          %squeeze3A_516 = vector.extract %slice3A_515[0] : i32 from vector<1xi32>
          %mul3A_517 = arith.constant 16 : i32
          %mul3A_518 = arith.muli %scan3A_412, %mul3A_517 : i32
          %add3A_519 = arith.constant 6 : i32
          %add3A_520 = arith.addi %mul3A_518, %add3A_519 : i32
          %dma_start3A_521 = arith.constant 0 : i32
          %dma_start3A_522 = tpu.memref_slice %arg7[%add3A_520, %dma_start3A_521] : memref<256x64xf32, #tpu.memory_space<vmem>> -> memref<1x64xf32, #tpu.memory_space<vmem>>
          %dma_start3A_523 = arith.constant 0 : i32
          %dma_start3A_524 = tpu.memref_slice %arg3[%squeeze3A_516, %dma_start3A_523] : memref<1000000x64xf32, #tpu.memory_space<hbm>> -> memref<1x64xf32, #tpu.memory_space<hbm>>
          %dma_start3A_525 = arith.constant 0 : i32
          %dma_start3A_526 = tpu.memref_slice %arg7[%add3A_520, %dma_start3A_525] : memref<256x64xf32, #tpu.memory_space<vmem>> -> memref<1x64xf32, #tpu.memory_space<vmem>>
          %dma_start3A_527 = arith.constant 0 : i32
          %dma_start3A_528 = tpu.memref_slice %arg3[%squeeze3A_516, %dma_start3A_527] : memref<1000000x64xf32, #tpu.memory_space<hbm>> -> memref<1x64xf32, #tpu.memory_space<hbm>>
          tpu.enqueue_dma source(%dma_start3A_528 : memref<1x64xf32, #tpu.memory_space<hbm>>) target(%dma_start3A_526 : memref<1x64xf32, #tpu.memory_space<vmem>>) target_semaphore(%arg13 : memref<!tpu.dma_semaphore, #tpu.memory_space<semaphore_mem>>)
          %slice3A_529 = vector.extract_strided_slice %get3A_432 {offsets = [7], sizes = [1], strides = [1]} : vector<16xi32> to vector<1xi32>
          %squeeze3A_530 = vector.extract %slice3A_529[0] : i32 from vector<1xi32>
          %mul3A_531 = arith.constant 16 : i32
          %mul3A_532 = arith.muli %scan3A_412, %mul3A_531 : i32
          %add3A_533 = arith.constant 7 : i32
          %add3A_534 = arith.addi %mul3A_532, %add3A_533 : i32
          %dma_start3A_535 = arith.constant 0 : i32
          %dma_start3A_536 = tpu.memref_slice %arg7[%add3A_534, %dma_start3A_535] : memref<256x64xf32, #tpu.memory_space<vmem>> -> memref<1x64xf32, #tpu.memory_space<vmem>>
          %dma_start3A_537 = arith.constant 0 : i32
          %dma_start3A_538 = tpu.memref_slice %arg3[%squeeze3A_530, %dma_start3A_537] : memref<1000000x64xf32, #tpu.memory_space<hbm>> -> memref<1x64xf32, #tpu.memory_space<hbm>>
          %dma_start3A_539 = arith.constant 0 : i32
          %dma_start3A_540 = tpu.memref_slice %arg7[%add3A_534, %dma_start3A_539] : memref<256x64xf32, #tpu.memory_space<vmem>> -> memref<1x64xf32, #tpu.memory_space<vmem>>
          %dma_start3A_541 = arith.constant 0 : i32
          %dma_start3A_542 = tpu.memref_slice %arg3[%squeeze3A_530, %dma_start3A_541] : memref<1000000x64xf32, #tpu.memory_space<hbm>> -> memref<1x64xf32, #tpu.memory_space<hbm>>
          tpu.enqueue_dma source(%dma_start3A_542 : memref<1x64xf32, #tpu.memory_space<hbm>>) target(%dma_start3A_540 : memref<1x64xf32, #tpu.memory_space<vmem>>) target_semaphore(%arg13 : memref<!tpu.dma_semaphore, #tpu.memory_space<semaphore_mem>>)
          %slice3A_543 = vector.extract_strided_slice %get3A_432 {offsets = [8], sizes = [1], strides = [1]} : vector<16xi32> to vector<1xi32>
          %squeeze3A_544 = vector.extract %slice3A_543[0] : i32 from vector<1xi32>
          %mul3A_545 = arith.constant 16 : i32
          %mul3A_546 = arith.muli %scan3A_412, %mul3A_545 : i32
          %add3A_547 = arith.constant 8 : i32
          %add3A_548 = arith.addi %mul3A_546, %add3A_547 : i32
          %dma_start3A_549 = arith.constant 0 : i32
          %dma_start3A_550 = tpu.memref_slice %arg7[%add3A_548, %dma_start3A_549] : memref<256x64xf32, #tpu.memory_space<vmem>> -> memref<1x64xf32, #tpu.memory_space<vmem>>
          %dma_start3A_551 = arith.constant 0 : i32
          %dma_start3A_552 = tpu.memref_slice %arg3[%squeeze3A_544, %dma_start3A_551] : memref<1000000x64xf32, #tpu.memory_space<hbm>> -> memref<1x64xf32, #tpu.memory_space<hbm>>
          %dma_start3A_553 = arith.constant 0 : i32
          %dma_start3A_554 = tpu.memref_slice %arg7[%add3A_548, %dma_start3A_553] : memref<256x64xf32, #tpu.memory_space<vmem>> -> memref<1x64xf32, #tpu.memory_space<vmem>>
          %dma_start3A_555 = arith.constant 0 : i32
          %dma_start3A_556 = tpu.memref_slice %arg3[%squeeze3A_544, %dma_start3A_555] : memref<1000000x64xf32, #tpu.memory_space<hbm>> -> memref<1x64xf32, #tpu.memory_space<hbm>>
          tpu.enqueue_dma source(%dma_start3A_556 : memref<1x64xf32, #tpu.memory_space<hbm>>) target(%dma_start3A_554 : memref<1x64xf32, #tpu.memory_space<vmem>>) target_semaphore(%arg13 : memref<!tpu.dma_semaphore, #tpu.memory_space<semaphore_mem>>)
          %slice3A_557 = vector.extract_strided_slice %get3A_432 {offsets = [9], sizes = [1], strides = [1]} : vector<16xi32> to vector<1xi32>
          %squeeze3A_558 = vector.extract %slice3A_557[0] : i32 from vector<1xi32>
          %mul3A_559 = arith.constant 16 : i32
          %mul3A_560 = arith.muli %scan3A_412, %mul3A_559 : i32
          %add3A_561 = arith.constant 9 : i32
          %add3A_562 = arith.addi %mul3A_560, %add3A_561 : i32
          %dma_start3A_563 = arith.constant 0 : i32
          %dma_start3A_564 = tpu.memref_slice %arg7[%add3A_562, %dma_start3A_563] : memref<256x64xf32, #tpu.memory_space<vmem>> -> memref<1x64xf32, #tpu.memory_space<vmem>>
          %dma_start3A_565 = arith.constant 0 : i32
          %dma_start3A_566 = tpu.memref_slice %arg3[%squeeze3A_558, %dma_start3A_565] : memref<1000000x64xf32, #tpu.memory_space<hbm>> -> memref<1x64xf32, #tpu.memory_space<hbm>>
          %dma_start3A_567 = arith.constant 0 : i32
          %dma_start3A_568 = tpu.memref_slice %arg7[%add3A_562, %dma_start3A_567] : memref<256x64xf32, #tpu.memory_space<vmem>> -> memref<1x64xf32, #tpu.memory_space<vmem>>
          %dma_start3A_569 = arith.constant 0 : i32
          %dma_start3A_570 = tpu.memref_slice %arg3[%squeeze3A_558, %dma_start3A_569] : memref<1000000x64xf32, #tpu.memory_space<hbm>> -> memref<1x64xf32, #tpu.memory_space<hbm>>
          tpu.enqueue_dma source(%dma_start3A_570 : memref<1x64xf32, #tpu.memory_space<hbm>>) target(%dma_start3A_568 : memref<1x64xf32, #tpu.memory_space<vmem>>) target_semaphore(%arg13 : memref<!tpu.dma_semaphore, #tpu.memory_space<semaphore_mem>>)
          %slice3A_571 = vector.extract_strided_slice %get3A_432 {offsets = [10], sizes = [1], strides = [1]} : vector<16xi32> to vector<1xi32>
          %squeeze3A_572 = vector.extract %slice3A_571[0] : i32 from vector<1xi32>
          %mul3A_573 = arith.constant 16 : i32
          %mul3A_574 = arith.muli %scan3A_412, %mul3A_573 : i32
          %add3A_575 = arith.constant 10 : i32
          %add3A_576 = arith.addi %mul3A_574, %add3A_575 : i32
          %dma_start3A_577 = arith.constant 0 : i32
          %dma_start3A_578 = tpu.memref_slice %arg7[%add3A_576, %dma_start3A_577] : memref<256x64xf32, #tpu.memory_space<vmem>> -> memref<1x64xf32, #tpu.memory_space<vmem>>
          %dma_start3A_579 = arith.constant 0 : i32
          %dma_start3A_580 = tpu.memref_slice %arg3[%squeeze3A_572, %dma_start3A_579] : memref<1000000x64xf32, #tpu.memory_space<hbm>> -> memref<1x64xf32, #tpu.memory_space<hbm>>
          %dma_start3A_581 = arith.constant 0 : i32
          %dma_start3A_582 = tpu.memref_slice %arg7[%add3A_576, %dma_start3A_581] : memref<256x64xf32, #tpu.memory_space<vmem>> -> memref<1x64xf32, #tpu.memory_space<vmem>>
          %dma_start3A_583 = arith.constant 0 : i32
          %dma_start3A_584 = tpu.memref_slice %arg3[%squeeze3A_572, %dma_start3A_583] : memref<1000000x64xf32, #tpu.memory_space<hbm>> -> memref<1x64xf32, #tpu.memory_space<hbm>>
          tpu.enqueue_dma source(%dma_start3A_584 : memref<1x64xf32, #tpu.memory_space<hbm>>) target(%dma_start3A_582 : memref<1x64xf32, #tpu.memory_space<vmem>>) target_semaphore(%arg13 : memref<!tpu.dma_semaphore, #tpu.memory_space<semaphore_mem>>)
          %slice3A_585 = vector.extract_strided_slice %get3A_432 {offsets = [11], sizes = [1], strides = [1]} : vector<16xi32> to vector<1xi32>
          %squeeze3A_586 = vector.extract %slice3A_585[0] : i32 from vector<1xi32>
          %mul3A_587 = arith.constant 16 : i32
          %mul3A_588 = arith.muli %scan3A_412, %mul3A_587 : i32
          %add3A_589 = arith.constant 11 : i32
          %add3A_590 = arith.addi %mul3A_588, %add3A_589 : i32
          %dma_start3A_591 = arith.constant 0 : i32
          %dma_start3A_592 = tpu.memref_slice %arg7[%add3A_590, %dma_start3A_591] : memref<256x64xf32, #tpu.memory_space<vmem>> -> memref<1x64xf32, #tpu.memory_space<vmem>>
          %dma_start3A_593 = arith.constant 0 : i32
          %dma_start3A_594 = tpu.memref_slice %arg3[%squeeze3A_586, %dma_start3A_593] : memref<1000000x64xf32, #tpu.memory_space<hbm>> -> memref<1x64xf32, #tpu.memory_space<hbm>>
          %dma_start3A_595 = arith.constant 0 : i32
          %dma_start3A_596 = tpu.memref_slice %arg7[%add3A_590, %dma_start3A_595] : memref<256x64xf32, #tpu.memory_space<vmem>> -> memref<1x64xf32, #tpu.memory_space<vmem>>
          %dma_start3A_597 = arith.constant 0 : i32
          %dma_start3A_598 = tpu.memref_slice %arg3[%squeeze3A_586, %dma_start3A_597] : memref<1000000x64xf32, #tpu.memory_space<hbm>> -> memref<1x64xf32, #tpu.memory_space<hbm>>
          tpu.enqueue_dma source(%dma_start3A_598 : memref<1x64xf32, #tpu.memory_space<hbm>>) target(%dma_start3A_596 : memref<1x64xf32, #tpu.memory_space<vmem>>) target_semaphore(%arg13 : memref<!tpu.dma_semaphore, #tpu.memory_space<semaphore_mem>>)
          %slice3A_599 = vector.extract_strided_slice %get3A_432 {offsets = [12], sizes = [1], strides = [1]} : vector<16xi32> to vector<1xi32>
          %squeeze3A_600 = vector.extract %slice3A_599[0] : i32 from vector<1xi32>
          %mul3A_601 = arith.constant 16 : i32
          %mul3A_602 = arith.muli %scan3A_412, %mul3A_601 : i32
          %add3A_603 = arith.constant 12 : i32
          %add3A_604 = arith.addi %mul3A_602, %add3A_603 : i32
          %dma_start3A_605 = arith.constant 0 : i32
          %dma_start3A_606 = tpu.memref_slice %arg7[%add3A_604, %dma_start3A_605] : memref<256x64xf32, #tpu.memory_space<vmem>> -> memref<1x64xf32, #tpu.memory_space<vmem>>
          %dma_start3A_607 = arith.constant 0 : i32
          %dma_start3A_608 = tpu.memref_slice %arg3[%squeeze3A_600, %dma_start3A_607] : memref<1000000x64xf32, #tpu.memory_space<hbm>> -> memref<1x64xf32, #tpu.memory_space<hbm>>
          %dma_start3A_609 = arith.constant 0 : i32
          %dma_start3A_610 = tpu.memref_slice %arg7[%add3A_604, %dma_start3A_609] : memref<256x64xf32, #tpu.memory_space<vmem>> -> memref<1x64xf32, #tpu.memory_space<vmem>>
          %dma_start3A_611 = arith.constant 0 : i32
          %dma_start3A_612 = tpu.memref_slice %arg3[%squeeze3A_600, %dma_start3A_611] : memref<1000000x64xf32, #tpu.memory_space<hbm>> -> memref<1x64xf32, #tpu.memory_space<hbm>>
          tpu.enqueue_dma source(%dma_start3A_612 : memref<1x64xf32, #tpu.memory_space<hbm>>) target(%dma_start3A_610 : memref<1x64xf32, #tpu.memory_space<vmem>>) target_semaphore(%arg13 : memref<!tpu.dma_semaphore, #tpu.memory_space<semaphore_mem>>)
          %slice3A_613 = vector.extract_strided_slice %get3A_432 {offsets = [13], sizes = [1], strides = [1]} : vector<16xi32> to vector<1xi32>
          %squeeze3A_614 = vector.extract %slice3A_613[0] : i32 from vector<1xi32>
          %mul3A_615 = arith.constant 16 : i32
          %mul3A_616 = arith.muli %scan3A_412, %mul3A_615 : i32
          %add3A_617 = arith.constant 13 : i32
          %add3A_618 = arith.addi %mul3A_616, %add3A_617 : i32
          %dma_start3A_619 = arith.constant 0 : i32
          %dma_start3A_620 = tpu.memref_slice %arg7[%add3A_618, %dma_start3A_619] : memref<256x64xf32, #tpu.memory_space<vmem>> -> memref<1x64xf32, #tpu.memory_space<vmem>>
          %dma_start3A_621 = arith.constant 0 : i32
          %dma_start3A_622 = tpu.memref_slice %arg3[%squeeze3A_614, %dma_start3A_621] : memref<1000000x64xf32, #tpu.memory_space<hbm>> -> memref<1x64xf32, #tpu.memory_space<hbm>>
          %dma_start3A_623 = arith.constant 0 : i32
          %dma_start3A_624 = tpu.memref_slice %arg7[%add3A_618, %dma_start3A_623] : memref<256x64xf32, #tpu.memory_space<vmem>> -> memref<1x64xf32, #tpu.memory_space<vmem>>
          %dma_start3A_625 = arith.constant 0 : i32
          %dma_start3A_626 = tpu.memref_slice %arg3[%squeeze3A_614, %dma_start3A_625] : memref<1000000x64xf32, #tpu.memory_space<hbm>> -> memref<1x64xf32, #tpu.memory_space<hbm>>
          tpu.enqueue_dma source(%dma_start3A_626 : memref<1x64xf32, #tpu.memory_space<hbm>>) target(%dma_start3A_624 : memref<1x64xf32, #tpu.memory_space<vmem>>) target_semaphore(%arg13 : memref<!tpu.dma_semaphore, #tpu.memory_space<semaphore_mem>>)
          %slice3A_627 = vector.extract_strided_slice %get3A_432 {offsets = [14], sizes = [1], strides = [1]} : vector<16xi32> to vector<1xi32>
          %squeeze3A_628 = vector.extract %slice3A_627[0] : i32 from vector<1xi32>
          %mul3A_629 = arith.constant 16 : i32
          %mul3A_630 = arith.muli %scan3A_412, %mul3A_629 : i32
          %add3A_631 = arith.constant 14 : i32
          %add3A_632 = arith.addi %mul3A_630, %add3A_631 : i32
          %dma_start3A_633 = arith.constant 0 : i32
          %dma_start3A_634 = tpu.memref_slice %arg7[%add3A_632, %dma_start3A_633] : memref<256x64xf32, #tpu.memory_space<vmem>> -> memref<1x64xf32, #tpu.memory_space<vmem>>
          %dma_start3A_635 = arith.constant 0 : i32
          %dma_start3A_636 = tpu.memref_slice %arg3[%squeeze3A_628, %dma_start3A_635] : memref<1000000x64xf32, #tpu.memory_space<hbm>> -> memref<1x64xf32, #tpu.memory_space<hbm>>
          %dma_start3A_637 = arith.constant 0 : i32
          %dma_start3A_638 = tpu.memref_slice %arg7[%add3A_632, %dma_start3A_637] : memref<256x64xf32, #tpu.memory_space<vmem>> -> memref<1x64xf32, #tpu.memory_space<vmem>>
          %dma_start3A_639 = arith.constant 0 : i32
          %dma_start3A_640 = tpu.memref_slice %arg3[%squeeze3A_628, %dma_start3A_639] : memref<1000000x64xf32, #tpu.memory_space<hbm>> -> memref<1x64xf32, #tpu.memory_space<hbm>>
          tpu.enqueue_dma source(%dma_start3A_640 : memref<1x64xf32, #tpu.memory_space<hbm>>) target(%dma_start3A_638 : memref<1x64xf32, #tpu.memory_space<vmem>>) target_semaphore(%arg13 : memref<!tpu.dma_semaphore, #tpu.memory_space<semaphore_mem>>)
          %slice3A_641 = vector.extract_strided_slice %get3A_432 {offsets = [15], sizes = [1], strides = [1]} : vector<16xi32> to vector<1xi32>
          %squeeze3A_642 = vector.extract %slice3A_641[0] : i32 from vector<1xi32>
          %mul3A_643 = arith.constant 16 : i32
          %mul3A_644 = arith.muli %scan3A_412, %mul3A_643 : i32
          %add3A_645 = arith.constant 15 : i32
          %add3A_646 = arith.addi %mul3A_644, %add3A_645 : i32
          %dma_start3A_647 = arith.constant 0 : i32
          %dma_start3A_648 = tpu.memref_slice %arg7[%add3A_646, %dma_start3A_647] : memref<256x64xf32, #tpu.memory_space<vmem>> -> memref<1x64xf32, #tpu.memory_space<vmem>>
          %dma_start3A_649 = arith.constant 0 : i32
          %dma_start3A_650 = tpu.memref_slice %arg3[%squeeze3A_642, %dma_start3A_649] : memref<1000000x64xf32, #tpu.memory_space<hbm>> -> memref<1x64xf32, #tpu.memory_space<hbm>>
          %dma_start3A_651 = arith.constant 0 : i32
          %dma_start3A_652 = tpu.memref_slice %arg7[%add3A_646, %dma_start3A_651] : memref<256x64xf32, #tpu.memory_space<vmem>> -> memref<1x64xf32, #tpu.memory_space<vmem>>
          %dma_start3A_653 = arith.constant 0 : i32
          %dma_start3A_654 = tpu.memref_slice %arg3[%squeeze3A_642, %dma_start3A_653] : memref<1000000x64xf32, #tpu.memory_space<hbm>> -> memref<1x64xf32, #tpu.memory_space<hbm>>
          tpu.enqueue_dma source(%dma_start3A_654 : memref<1x64xf32, #tpu.memory_space<hbm>>) target(%dma_start3A_652 : memref<1x64xf32, #tpu.memory_space<vmem>>) target_semaphore(%arg13 : memref<!tpu.dma_semaphore, #tpu.memory_space<semaphore_mem>>)
        } else {
        }
      }
      %scan3A_356 = arith.constant 64 : i32
      %jit3A_357 = arith.constant 16 : i32
      %div3A_358 = arith.divsi %add3A_332, %jit3A_357 : i32
      %sign3A_359 = arith.constant 0 : i32
      %sign3A_360 = arith.cmpi sgt, %add3A_332, %sign3A_359 : i32
      %sign3A_361 = arith.extui %sign3A_360 : i1 to i32
      %sign3A_362 = arith.constant 0 : i32
      %sign3A_363 = arith.cmpi slt, %add3A_332, %sign3A_362 : i32
      %sign3A_364 = arith.extui %sign3A_363 : i1 to i32
      %sign3A_365 = arith.subi %sign3A_361, %sign3A_364 : i32
      %sign3A_366 = arith.constant 0 : i32
      %sign3A_367 = arith.cmpi sgt, %jit3A_357, %sign3A_366 : i32
      %sign3A_368 = arith.extui %sign3A_367 : i1 to i32
      %sign3A_369 = arith.constant 0 : i32
      %sign3A_370 = arith.cmpi slt, %jit3A_357, %sign3A_369 : i32
      %sign3A_371 = arith.extui %sign3A_370 : i1 to i32
      %sign3A_372 = arith.subi %sign3A_368, %sign3A_371 : i32
      %ne3A_373 = arith.cmpi ne, %sign3A_365, %sign3A_372 : i32
      %rem3A_374 = arith.remsi %add3A_332, %jit3A_357 : i32
      %ne3A_375 = arith.constant 0 : i32
      %ne3A_376 = arith.cmpi ne, %rem3A_374, %ne3A_375 : i32
      %and3A_377 = arith.andi %ne3A_373, %ne3A_376 : i1
      %sub3A_378 = arith.constant 1 : i32
      %sub3A_379 = arith.subi %div3A_358, %sub3A_378 : i32
      %select_n3A_380 = arith.select %and3A_377, %sub3A_379, %div3A_358 : i32
      %jit3A_381 = arith.constant 16 : i32
      %eq3A_382 = arith.constant 0 : i32
      %eq3A_383 = arith.cmpi eq, %jit3A_381, %eq3A_382 : i32
      %jit3A_384 = arith.constant 1 : i32
      %select_n3A_385 = arith.select %eq3A_383, %jit3A_384, %jit3A_381 : i32
      %rem3A_386 = arith.remsi %add3A_332, %select_n3A_385 : i32
      %ne3A_387 = arith.constant 0 : i32
      %ne3A_388 = arith.cmpi ne, %rem3A_386, %ne3A_387 : i32
      %lt3A_389 = arith.constant 0 : i32
      %lt3A_390 = arith.cmpi slt, %rem3A_386, %lt3A_389 : i32
      %lt3A_391 = arith.constant 0 : i32
      %lt3A_392 = arith.cmpi slt, %select_n3A_385, %lt3A_391 : i32
      %ne3A_393 = arith.xori %lt3A_390, %lt3A_392 : i1
      %and3A_394 = arith.andi %ne3A_393, %ne3A_388 : i1
      %add3A_395 = arith.addi %rem3A_386, %select_n3A_385 : i32
      %select_n3A_396 = arith.select %and3A_394, %add3A_395, %rem3A_386 : i32
      %mul3A_397 = arith.constant 256 : i32
      %mul3A_398 = arith.muli %select_n3A_396, %mul3A_397 : i32
      %dma_start3A_399 = arith.constant 0 : i32
      %dma_start3A_400 = tpu.memref_slice %arg4[%select_n3A_380, %dma_start3A_399, %mul3A_398] : memref<200x64x4096xf32, #tpu.memory_space<hbm>> -> memref<1x64x256xf32, #tpu.memory_space<hbm>>
      %dma_start3A_401 = tpu.memref_squeeze %dma_start3A_400 : memref<1x64x256xf32, #tpu.memory_space<hbm>> -> memref<64x256xf32, #tpu.memory_space<hbm>>
      %dma_start3A_402 = arith.constant 0 : i32
      %dma_start3A_403 = tpu.memref_slice %arg4[%select_n3A_380, %dma_start3A_402, %mul3A_398] : memref<200x64x4096xf32, #tpu.memory_space<hbm>> -> memref<1x64x256xf32, #tpu.memory_space<hbm>>
      %dma_start3A_404 = tpu.memref_squeeze %dma_start3A_403 : memref<1x64x256xf32, #tpu.memory_space<hbm>> -> memref<64x256xf32, #tpu.memory_space<hbm>>
      tpu.enqueue_dma source(%arg10 : memref<64x256xf32, #tpu.memory_space<vmem>>) target(%dma_start3A_404 : memref<64x256xf32, #tpu.memory_space<hbm>>) target_semaphore(%arg16 : memref<!tpu.dma_semaphore, #tpu.memory_space<semaphore_mem>>)
      %add3A_405 = arith.constant 2 : i32
      %add3A_406 = arith.addi %add3A_331, %add3A_405 : i32
      %lt3A_407 = arith.constant 100 : i32
      %lt3A_408 = arith.cmpi slt, %add3A_406, %lt3A_407 : i32
      %convert_element_type3A_409 = arith.extui %lt3A_408 : i1 to i32
      %cond3A_410 = arith.constant 0 : i32
      %cond3A_411 = arith.cmpi ne, %convert_element_type3A_409, %cond3A_410 : i32
      scf.if %cond3A_411 {
        %add3A_412 = arith.constant 2 : i32
        %add3A_413 = arith.addi %add3A_332, %add3A_412 : i32
        %jit3A_414 = arith.constant 16 : i32
        %div3A_415 = arith.divsi %add3A_413, %jit3A_414 : i32
        %sign3A_416 = arith.constant 0 : i32
        %sign3A_417 = arith.cmpi sgt, %add3A_413, %sign3A_416 : i32
        %sign3A_418 = arith.extui %sign3A_417 : i1 to i32
        %sign3A_419 = arith.constant 0 : i32
        %sign3A_420 = arith.cmpi slt, %add3A_413, %sign3A_419 : i32
        %sign3A_421 = arith.extui %sign3A_420 : i1 to i32
        %sign3A_422 = arith.subi %sign3A_418, %sign3A_421 : i32
        %sign3A_423 = arith.constant 0 : i32
        %sign3A_424 = arith.cmpi sgt, %jit3A_414, %sign3A_423 : i32
        %sign3A_425 = arith.extui %sign3A_424 : i1 to i32
        %sign3A_426 = arith.constant 0 : i32
        %sign3A_427 = arith.cmpi slt, %jit3A_414, %sign3A_426 : i32
        %sign3A_428 = arith.extui %sign3A_427 : i1 to i32
        %sign3A_429 = arith.subi %sign3A_425, %sign3A_428 : i32
        %ne3A_430 = arith.cmpi ne, %sign3A_422, %sign3A_429 : i32
        %rem3A_431 = arith.remsi %add3A_413, %jit3A_414 : i32
        %ne3A_432 = arith.constant 0 : i32
        %ne3A_433 = arith.cmpi ne, %rem3A_431, %ne3A_432 : i32
        %and3A_434 = arith.andi %ne3A_430, %ne3A_433 : i1
        %sub3A_435 = arith.constant 1 : i32
        %sub3A_436 = arith.subi %div3A_415, %sub3A_435 : i32
        %select_n3A_437 = arith.select %and3A_434, %sub3A_436, %div3A_415 : i32
        %jit3A_438 = arith.constant 16 : i32
        %eq3A_439 = arith.constant 0 : i32
        %eq3A_440 = arith.cmpi eq, %jit3A_438, %eq3A_439 : i32
        %jit3A_441 = arith.constant 1 : i32
        %select_n3A_442 = arith.select %eq3A_440, %jit3A_441, %jit3A_438 : i32
        %rem3A_443 = arith.remsi %add3A_413, %select_n3A_442 : i32
        %ne3A_444 = arith.constant 0 : i32
        %ne3A_445 = arith.cmpi ne, %rem3A_443, %ne3A_444 : i32
        %lt3A_446 = arith.constant 0 : i32
        %lt3A_447 = arith.cmpi slt, %rem3A_443, %lt3A_446 : i32
        %lt3A_448 = arith.constant 0 : i32
        %lt3A_449 = arith.cmpi slt, %select_n3A_442, %lt3A_448 : i32
        %ne3A_450 = arith.xori %lt3A_447, %lt3A_449 : i1
        %and3A_451 = arith.andi %ne3A_450, %ne3A_445 : i1
        %add3A_452 = arith.addi %rem3A_443, %select_n3A_442 : i32
        %select_n3A_453 = arith.select %and3A_451, %add3A_452, %rem3A_443 : i32
        %mul3A_454 = arith.constant 256 : i32
        %mul3A_455 = arith.muli %select_n3A_453, %mul3A_454 : i32
        %dma_start3A_456 = tpu.memref_slice %arg2[%select_n3A_437, %mul3A_455] : memref<200x4096xi32, #tpu.memory_space<hbm>> -> memref<1x256xi32, #tpu.memory_space<hbm>>
        %dma_start3A_457 = tpu.memref_squeeze %dma_start3A_456 : memref<1x256xi32, #tpu.memory_space<hbm>> -> memref<256xi32, #tpu.memory_space<hbm>>
        %dma_start3A_458 = tpu.memref_slice %arg2[%select_n3A_437, %mul3A_455] : memref<200x4096xi32, #tpu.memory_space<hbm>> -> memref<1x256xi32, #tpu.memory_space<hbm>>
        %dma_start3A_459 = tpu.memref_squeeze %dma_start3A_458 : memref<1x256xi32, #tpu.memory_space<hbm>> -> memref<256xi32, #tpu.memory_space<hbm>>
        tpu.enqueue_dma source(%dma_start3A_459 : memref<256xi32, #tpu.memory_space<hbm>>) target(%arg6 : memref<256xi32, #tpu.memory_space<vmem>>) target_semaphore(%arg12 : memref<!tpu.dma_semaphore, #tpu.memory_space<semaphore_mem>>)
      } else {
      }
    }
    %scan3A_141 = arith.constant 50 : i32
    %add3A_142 = arith.constant 100 : i32
    %add3A_143 = arith.addi %mul3A_2, %add3A_142 : i32
    %sub3A_144 = arith.constant 2 : i32
    %sub3A_145 = arith.subi %add3A_143, %sub3A_144 : i32
    %jit3A_146 = arith.constant 16 : i32
    %div3A_147 = arith.divsi %sub3A_145, %jit3A_146 : i32
    %sign3A_148 = arith.constant 0 : i32
    %sign3A_149 = arith.cmpi sgt, %sub3A_145, %sign3A_148 : i32
    %sign3A_150 = arith.extui %sign3A_149 : i1 to i32
    %sign3A_151 = arith.constant 0 : i32
    %sign3A_152 = arith.cmpi slt, %sub3A_145, %sign3A_151 : i32
    %sign3A_153 = arith.extui %sign3A_152 : i1 to i32
    %sign3A_154 = arith.subi %sign3A_150, %sign3A_153 : i32
    %sign3A_155 = arith.constant 0 : i32
    %sign3A_156 = arith.cmpi sgt, %jit3A_146, %sign3A_155 : i32
    %sign3A_157 = arith.extui %sign3A_156 : i1 to i32
    %sign3A_158 = arith.constant 0 : i32
    %sign3A_159 = arith.cmpi slt, %jit3A_146, %sign3A_158 : i32
    %sign3A_160 = arith.extui %sign3A_159 : i1 to i32
    %sign3A_161 = arith.subi %sign3A_157, %sign3A_160 : i32
    %ne3A_162 = arith.cmpi ne, %sign3A_154, %sign3A_161 : i32
    %rem3A_163 = arith.remsi %sub3A_145, %jit3A_146 : i32
    %ne3A_164 = arith.constant 0 : i32
    %ne3A_165 = arith.cmpi ne, %rem3A_163, %ne3A_164 : i32
    %and3A_166 = arith.andi %ne3A_162, %ne3A_165 : i1
    %sub3A_167 = arith.constant 1 : i32
    %sub3A_168 = arith.subi %div3A_147, %sub3A_167 : i32
    %select_n3A_169 = arith.select %and3A_166, %sub3A_168, %div3A_147 : i32
    %jit3A_170 = arith.constant 16 : i32
    %eq3A_171 = arith.constant 0 : i32
    %eq3A_172 = arith.cmpi eq, %jit3A_170, %eq3A_171 : i32
    %jit3A_173 = arith.constant 1 : i32
    %select_n3A_174 = arith.select %eq3A_172, %jit3A_173, %jit3A_170 : i32
    %rem3A_175 = arith.remsi %sub3A_145, %select_n3A_174 : i32
    %ne3A_176 = arith.constant 0 : i32
    %ne3A_177 = arith.cmpi ne, %rem3A_175, %ne3A_176 : i32
    %lt3A_178 = arith.constant 0 : i32
    %lt3A_179 = arith.cmpi slt, %rem3A_175, %lt3A_178 : i32
    %lt3A_180 = arith.constant 0 : i32
    %lt3A_181 = arith.cmpi slt, %select_n3A_174, %lt3A_180 : i32
    %ne3A_182 = arith.xori %lt3A_179, %lt3A_181 : i1
    %and3A_183 = arith.andi %ne3A_182, %ne3A_177 : i1
    %add3A_184 = arith.addi %rem3A_175, %select_n3A_174 : i32
    %select_n3A_185 = arith.select %and3A_183, %add3A_184, %rem3A_175 : i32
    %mul3A_186 = arith.constant 256 : i32
    %mul3A_187 = arith.muli %select_n3A_185, %mul3A_186 : i32
    %dma_wait3A_188 = arith.constant 0 : i32
    %dma_wait3A_189 = tpu.memref_slice %arg4[%select_n3A_169, %dma_wait3A_188, %mul3A_187] : memref<200x64x4096xf32, #tpu.memory_space<hbm>> -> memref<1x64x256xf32, #tpu.memory_space<hbm>>
    %dma_wait3A_190 = tpu.memref_squeeze %dma_wait3A_189 : memref<1x64x256xf32, #tpu.memory_space<hbm>> -> memref<64x256xf32, #tpu.memory_space<hbm>>
    %dma_wait3A_191 = arith.constant 0 : i32
    %dma_wait3A_192 = tpu.memref_slice %arg4[%select_n3A_169, %dma_wait3A_191, %mul3A_187] : memref<200x64x4096xf32, #tpu.memory_space<hbm>> -> memref<1x64x256xf32, #tpu.memory_space<hbm>>
    %dma_wait3A_193 = tpu.memref_squeeze %dma_wait3A_192 : memref<1x64x256xf32, #tpu.memory_space<hbm>> -> memref<64x256xf32, #tpu.memory_space<hbm>>
    tpu.wait_dma2 semaphore(%arg15 : memref<!tpu.dma_semaphore, #tpu.memory_space<semaphore_mem>>) src(%arg9 : memref<64x256xf32, #tpu.memory_space<vmem>>) dst(%dma_wait3A_193 : memref<64x256xf32, #tpu.memory_space<hbm>>)
    %add3A_194 = arith.constant 100 : i32
    %add3A_195 = arith.addi %mul3A_2, %add3A_194 : i32
    %sub3A_196 = arith.constant 1 : i32
    %sub3A_197 = arith.subi %add3A_195, %sub3A_196 : i32
    %jit3A_198 = arith.constant 16 : i32
    %div3A_199 = arith.divsi %sub3A_197, %jit3A_198 : i32
    %sign3A_200 = arith.constant 0 : i32
    %sign3A_201 = arith.cmpi sgt, %sub3A_197, %sign3A_200 : i32
    %sign3A_202 = arith.extui %sign3A_201 : i1 to i32
    %sign3A_203 = arith.constant 0 : i32
    %sign3A_204 = arith.cmpi slt, %sub3A_197, %sign3A_203 : i32
    %sign3A_205 = arith.extui %sign3A_204 : i1 to i32
    %sign3A_206 = arith.subi %sign3A_202, %sign3A_205 : i32
    %sign3A_207 = arith.constant 0 : i32
    %sign3A_208 = arith.cmpi sgt, %jit3A_198, %sign3A_207 : i32
    %sign3A_209 = arith.extui %sign3A_208 : i1 to i32
    %sign3A_210 = arith.constant 0 : i32
    %sign3A_211 = arith.cmpi slt, %jit3A_198, %sign3A_210 : i32
    %sign3A_212 = arith.extui %sign3A_211 : i1 to i32
    %sign3A_213 = arith.subi %sign3A_209, %sign3A_212 : i32
    %ne3A_214 = arith.cmpi ne, %sign3A_206, %sign3A_213 : i32
    %rem3A_215 = arith.remsi %sub3A_197, %jit3A_198 : i32
    %ne3A_216 = arith.constant 0 : i32
    %ne3A_217 = arith.cmpi ne, %rem3A_215, %ne3A_216 : i32
    %and3A_218 = arith.andi %ne3A_214, %ne3A_217 : i1
    %sub3A_219 = arith.constant 1 : i32
    %sub3A_220 = arith.subi %div3A_199, %sub3A_219 : i32
    %select_n3A_221 = arith.select %and3A_218, %sub3A_220, %div3A_199 : i32
    %jit3A_222 = arith.constant 16 : i32
    %eq3A_223 = arith.constant 0 : i32
    %eq3A_224 = arith.cmpi eq, %jit3A_222, %eq3A_223 : i32
    %jit3A_225 = arith.constant 1 : i32
    %select_n3A_226 = arith.select %eq3A_224, %jit3A_225, %jit3A_222 : i32
    %rem3A_227 = arith.remsi %sub3A_197, %select_n3A_226 : i32
    %ne3A_228 = arith.constant 0 : i32
    %ne3A_229 = arith.cmpi ne, %rem3A_227, %ne3A_228 : i32
    %lt3A_230 = arith.constant 0 : i32
    %lt3A_231 = arith.cmpi slt, %rem3A_227, %lt3A_230 : i32
    %lt3A_232 = arith.constant 0 : i32
    %lt3A_233 = arith.cmpi slt, %select_n3A_226, %lt3A_232 : i32
    %ne3A_234 = arith.xori %lt3A_231, %lt3A_233 : i1
    %and3A_235 = arith.andi %ne3A_234, %ne3A_229 : i1
    %add3A_236 = arith.addi %rem3A_227, %select_n3A_226 : i32
    %select_n3A_237 = arith.select %and3A_235, %add3A_236, %rem3A_227 : i32
    %mul3A_238 = arith.constant 256 : i32
    %mul3A_239 = arith.muli %select_n3A_237, %mul3A_238 : i32
    %dma_wait3A_240 = arith.constant 0 : i32
    %dma_wait3A_241 = tpu.memref_slice %arg4[%select_n3A_221, %dma_wait3A_240, %mul3A_239] : memref<200x64x4096xf32, #tpu.memory_space<hbm>> -> memref<1x64x256xf32, #tpu.memory_space<hbm>>
    %dma_wait3A_242 = tpu.memref_squeeze %dma_wait3A_241 : memref<1x64x256xf32, #tpu.memory_space<hbm>> -> memref<64x256xf32, #tpu.memory_space<hbm>>
    %dma_wait3A_243 = arith.constant 0 : i32
    %dma_wait3A_244 = tpu.memref_slice %arg4[%select_n3A_221, %dma_wait3A_243, %mul3A_239] : memref<200x64x4096xf32, #tpu.memory_space<hbm>> -> memref<1x64x256xf32, #tpu.memory_space<hbm>>
    %dma_wait3A_245 = tpu.memref_squeeze %dma_wait3A_244 : memref<1x64x256xf32, #tpu.memory_space<hbm>> -> memref<64x256xf32, #tpu.memory_space<hbm>>
    tpu.wait_dma2 semaphore(%arg16 : memref<!tpu.dma_semaphore, #tpu.memory_space<semaphore_mem>>) src(%arg10 : memref<64x256xf32, #tpu.memory_space<vmem>>) dst(%dma_wait3A_245 : memref<64x256xf32, #tpu.memory_space<hbm>>)
    return
  }
}

</mosaic_0001>

<sc_bundles>
// kernel: kernel.3.cloned.1.call-start
scs
__scs_entry_jumppad:
0x0: {  	(pc) =	sbr.rel $0x88, $3  }
0x1: {  	(tag) =	ssettag $0x0;
	lr =	simm.s32 $0x1  }
0x2: {  	[smem:$0x3F9F] =	sst lr;
	_ =	strace $0xD0000000  }
0x3: {  	_ = 	snop  }
0x4: {  	_ = 	snop  }
0x5: {  	_ = 	snop  }
0x6: {  	_ = 	snop  }
0x7: {  	_ = 	snop  }
__scs_overlays_trampoline_lowered:
0x8: {  	[smem:$0x3FAE] =	sst s0  }
0x9: {  	[smem:$0x3FAF] =	sst s1  }
0xa: {  	[smem:$0x3FB0] =	sst s2  }
0xb: {  	[smem:$0x3FB1] =	sst s3  }
0xc: {  	[smem:$0x3FB2] =	sst s4  }
0xd: {  	[smem:$0x3FB3] =	sst s5  }
0xe: {  	[smem:$0x3FB4] =	sst s6  }
0xf: {  	[smem:$0x3FB5] =	sst s7  }
0x10: {  	[smem:$0x3FB6] =	sst s8  }
0x11: {  	[smem:$0x3FB7] =	sst s9;
	s0 =	simm.s32 @!p0 $0x0  }
0x12: {  	s1 =	sld [smem:$0x3F9D];
	s0 =	simm.s32 @p0 $0x1  }
0x13: {  	[smem:$0x3FB8] =	sst s0;
	s0 =	simm.s32 @!p1 $0x0  }
0x14: {  	s2 =	sld [smem:$0x3F9C];
	s0 =	simm.s32 @p1 $0x1  }
0x15: {  	[smem:$0x3FB9] =	sst s0;
	s0 =	simm.s32 @!p2 $0x0  }
0x16: {  	s3 =	sld [smem:$0x3FDB];
	s0 =	simm.s32 @p2 $0x1  }
0x17: {  	s4 =	simm.s32 $0x1BF5;
	[smem:$0x3FBB] =	sst s0  }
0x18: {  	s0 =	sld [smem:$0x3F9E];
	_ =	swait.ge [sflag:s4], $0x0  }
0x19: {  	s7 =	sld [smem:$0x3F9F]  }
0x1a: {  	s8 =	sadd.s32 $0xFFFFE003, lr  }
0x1b: {  	s9 =	sadd.s32 $0xFFFFFEF7, lr;
	s5 =	simm.s32 $0xFFFFFFFF;
	p2 =	slt.u32 s8, $0xFFFFF086  }
0x1c: {  	p1 =	slt.u32 s9, $0xF7A;
	s5 =	simm.s32 @!p2 $0x0  }
0x1d: {  	s5 =	simm.s32 @p1 $0x1;
	p0 =	seq.s32 s7, s2  }
0x1e: {  	s7 =	smul.u32 @!p0 $0xF7A, s2;
	p2 =	seq.s32 @!p0 s5, $0x0  }
0x1f: {  	s9 =	smul.u32 $0xF7A, s1;
	s8 =	simm.s32 @!p0 $0x1BF5;
	p2 =	por !p2, p0  }
0x20: {  	[sflag:s8] =	ssyncset.s32 @!p0 $0xFFFFF086;
	s6 =	sadd.s32 @!p0 s3, s7;
	s7 =	simm.s32 @!p0 $0x108  }
0x21: {  	s3 =	sadd.s32 s3, s9;
	s6 =	sadd.s32 @!p0 $0x88, s6;
	s7 =	simm.s32 @p2 $0x1082  }
0x22: {  	[simem:s7], [sflag:s8] =	dma.local @!p0 [hbm:s6], $0xF7A  }
0x23: {  	s9 =	sor.u32 $0xD0000000, s2;
	s6 =	simm.s32 $0x108;
	_ =	swait.ge @!p0 [sflag:s8], $0x0  }
0x24: {  	s3 =	sadd.s32 $0x88, s3;
	s6 =	simm.s32 @!p1 $0x1082;
	[sflag:s4] =	ssyncset.s32 $0xFFFFF086  }
0x25: {  	[simem:s6], [sflag:s4] =	dma.local [hbm:s3], $0xF7A  }
0x26: {  	[smem:$0x3F9F] =	sst s1;
	(tag) =	ssettag s2;
	_ =	strace s9  }
0x27: {  	s1 =	sld [smem:$0x3FAF]  }
0x28: {  	s2 =	sld [smem:$0x3FB0]  }
0x29: {  	s4 =	sld [smem:$0x3FB2]  }
0x2a: {  	p0 =	seq.s32 s5, $0x0;
	s5 =	sld [smem:$0x3FB3]  }
0x2b: {  	s6 =	sld [smem:$0x3FB4]  }
0x2c: {  	s7 =	sld [smem:$0x3FB5]  }
0x2d: {  	s3 =	simm.s32 $0x108;
	s8 =	sld [smem:$0x3FB6]  }
0x2e: {  	s3 =	simm.s32 @!p0 $0x1082;
	s9 =	sld [smem:$0x3FB7]  }
0x2f: {  	lr =	sadd.s32 s0, s3;
	s0 =	sld [smem:$0x3FAE]  }
0x30: {  	s3 =	sld [smem:$0x3FB1]  }
0x31: {  	[smem:$0x3FBA] =	sst s10  }
0x32: {  	s10 =	sld [smem:$0x3FB8];
	_ =	sdelay $0x3  }
0x33: {  	p0 =	seq.s32 s10, $0x1;
	s10 =	sld [smem:$0x3FBA];
	_ =	sdelay $0x3  }
0x34: {  	[smem:$0x3FBA] =	sst s10  }
0x35: {  	s10 =	sld [smem:$0x3FB9];
	_ =	sdelay $0x3  }
0x36: {  	p1 =	seq.s32 s10, $0x1;
	s10 =	sld [smem:$0x3FBA];
	_ =	sdelay $0x3  }
0x37: {  	[smem:$0x3FBA] =	sst s10  }
0x38: {  	s10 =	sld [smem:$0x3FBB]  }
0x39: {  	_ = 	snop;
	(pc) =	sbr.ind lr, $3  }
0x3a: {  	_ = 	snop  }
0x3b: {  	_ = 	snop  }
0x3c: {  	p2 =	seq.s32 s10, $0x1;
	s10 =	sld [smem:$0x3FBA]  }
0x3d: {  	_ =	shalt  }
0x3e: {  	_ =	shalt  }
0x3f: {  	_ =	shalt  }
0x40: {  	_ =	shalt  }
0x41: {  	_ =	shalt  }
0x42: {  	_ =	shalt  }
0x43: {  	_ =	shalt  }
0x44: {  	_ =	shalt  }
0x45: {  	_ =	shalt  }
0x46: {  	_ =	shalt  }
0x47: {  	_ =	shalt  }
0x48: {  	_ =	shalt  }
0x49: {  	_ =	shalt  }
0x4a: {  	_ =	shalt  }
0x4b: {  	_ =	shalt  }
0x4c: {  	_ =	shalt  }
0x4d: {  	_ =	shalt  }
0x4e: {  	_ =	shalt  }
0x4f: {  	_ =	shalt  }
0x50: {  	_ =	shalt  }
0x51: {  	_ =	shalt  }
0x52: {  	_ =	shalt  }
0x53: {  	_ =	shalt  }
0x54: {  	_ =	shalt  }
0x55: {  	_ =	shalt  }
0x56: {  	_ =	shalt  }
0x57: {  	_ =	shalt  }
0x58: {  	_ =	shalt  }
0x59: {  	_ =	shalt  }
0x5a: {  	_ =	shalt  }
0x5b: {  	_ =	shalt  }
0x5c: {  	_ =	shalt  }
0x5d: {  	_ =	shalt  }
0x5e: {  	_ =	shalt  }
0x5f: {  	_ =	shalt  }
0x60: {  	_ =	shalt  }
0x61: {  	_ =	shalt  }
0x62: {  	_ =	shalt  }
0x63: {  	_ =	shalt  }
0x64: {  	_ =	shalt  }
0x65: {  	_ =	shalt  }
0x66: {  	_ =	shalt  }
0x67: {  	_ =	shalt  }
0x68: {  	_ =	shalt  }
0x69: {  	_ =	shalt  }
0x6a: {  	_ =	shalt  }
0x6b: {  	_ =	shalt  }
0x6c: {  	_ =	shalt  }
0x6d: {  	_ =	shalt  }
0x6e: {  	_ =	shalt  }
0x6f: {  	_ =	shalt  }
0x70: {  	_ =	shalt  }
0x71: {  	_ =	shalt  }
0x72: {  	_ =	shalt  }
0x73: {  	_ =	shalt  }
0x74: {  	_ =	shalt  }
0x75: {  	_ =	shalt  }
0x76: {  	_ =	shalt  }
0x77: {  	_ =	shalt  }
0x78: {  	_ =	shalt  }
0x79: {  	_ =	shalt  }
0x7a: {  	_ =	shalt  }
0x7b: {  	_ =	shalt  }
0x7c: {  	_ =	shalt  }
0x7d: {  	_ =	shalt  }
0x7e: {  	_ =	shalt  }
0x7f: {  	_ =	shalt  }
0x80: {  	_ =	shalt  }
0x81: {  	_ =	shalt  }
0x82: {  	_ =	shalt  }
0x83: {  	_ =	shalt  }
0x84: {  	_ =	shalt  }
0x85: {  	_ =	shalt  }
0x86: {  	_ =	shalt  }
0x87: {  	_ =	shalt  }
.Lfunc_end0:
.L_simem_size_0:
called_computation_lowered:
.L_overlay_start_0:
0x88: {  	s2 =	sld [smem:$0x3FD9]  }
0x89: {  	s3 =	sld [smem:$0x3FFE];
	_ =	sdelay $0x1  }
0x8a: {  	s1 =	srdreg.scid  }
0x8b: {  	s0 =	sand.u32 $0x1, s1  }
0x8c: {  	s17 =	sshll.u32 s0, $0xA;
	s2 =	sadd.s32 s3, s2  }
0x8d: {  	s2 =	sadd.s32 s2, s17  }
0x8e: {  	[smem:$0x3FC6] =	sst s2  }
0x8f: {  	_ = 	snop  }
0x90: {  	s2 =	sld [smem:$0x3FC9]  }
0x91: {  	s18 =	sld [smem:$0x3FD0];
	(tm) =	ssettm $0x1  }
0x92: {  	s4 =	sld [smem:$0x3FFB];
	_ =	sdelay $0x3  }
0x93: {  	_ =	strace s4  }
0x94: {  	s4 =	sld [smem:$0x3FFC];
	_ =	sdelay $0x3  }
0x95: {  	_ =	strace s4  }
0x96: {  	s4 =	sld [smem:$0x3FFD];
	_ =	sdelay $0x3  }
0x97: {  	_ =	strace s4  }
0x98: {  	_ =	strace $0x8FFFFFFF  }
0x99: {  	s19 =	sld [smem:$0x3FDB];
	_ =	sdelay $0x1  }
0x9a: {  	s5 =	simm.s32 $_scs_section_size  }
0x9b: {  	s6 =	simm.s32 $_size__tile_overlayer_lowered;
	s7 =	simm.s32 $_tile_overlayer_lowered  }
0x9c: {  	s22 =	simm.s32 $0x1BFF;
	s21 =	sshll.u32 s7, $0x1;
	s4 =	sadd.s32 s5, s19  }
0x9d: {  	s8 =	simm.s32 $0x0;
	s20 =	sshll.u32 s6, $0x1;
	s6 =	sadd.s32 s21, s4  }
0x9e: {  	[timem:s8], [sflag:s22] =	dma.local [hbm:s6], s20  }
0x9f: {  	_ =	swait.ge [sflag:s22], s20  }
0xa0: {  	s5 =	ssub.s32 $0x0, s20;
	[sflag:s22] =	ssyncset.done $0x0  }
0xa1: {  	[sflag:s22] =	ssyncadd.s32 s5;
	_ =	sdelay $0x1  }
0xa2: {  	s23 =	simm.s32 $0x1B8B  }
0xa3: {  	_ =	swait.ge [sflag:s23], $0x1  }
0xa4: {  	[sflag:s23] =	ssyncset.done $0x0  }
0xa5: {  	s25 =	simm.s32 $0x1B8E;
	s24 =	sld [smem:$0x3FFE];
	[sflag:s23] =	ssyncadd.s32 $0xFFFFFFFF  }
0xa6: {  	s26 =	simm.s32 $execute0_lowered;
	[smem:$0x3FD2] =	sst s25  }
0xa7: {  	s6 =	sshll.u32 s26, $0x1;
	_ =	strace $0x80000046;
	[dreg:$0x1] =	wrdreg $0xFFFFFFFF  }
0xa8: {  	s28 =	simm.s32 $_size_execute0_lowered;
	s4 =	sadd.s32 s4, s6;
	[dreg:$0x0] =	wrdreg $0x0  }
0xa9: {  	s6 =	sshll.u32 s28, $0x1;
	[dreg:$0x2] =	wrdreg s4  }
0xaa: {  	[dreg:$0x3] =	wrdreg s6  }
0xab: {  	[dreg:$0x4] =	wrdreg $0xC0  }
0xac: {  	_ =	task [dreg:s8], $0x5FFFF  }
0xad: {  	[dreg:$0x1] =	wrdreg $0xFFFFFFFF  }
0xae: {  	[dreg:$0x0] =	wrdreg $0x60  }
0xaf: {  	[dreg:$0x2] =	wrdreg s2  }
0xb0: {  	[dreg:$0x3] =	wrdreg s24  }
0xb1: {  	[dreg:$0x4] =	wrdreg s18  }
0xb2: {  	[dreg:$0x5] =	wrdreg $0x9  }
0xb3: {  	_ =	task.clear_ibuf [dreg:s8], $0x6FFFF;
	_ =	strace $0x90000046  }
0xb4: {  	s29 =	simm.s32 $0x9;
	_ =	strace $0x80000048  }
0xb5: {  	_ =	swait.ge [sflag:s29], $0x1  }
0xb6: {  	[sflag:s29] =	ssyncadd.s32 $0xFFFFFFFF  }
0xb7: {  	_ =	strace $0x90000048  }
0xb8: {  	_ =	sfence  }
0xb9: {  	s30 =	sld [smem:$0x0];
	_ =	sdelay $0x2  }
0xba: {  	s31 =	sshll.u32 s1, $0xD;
	s1 =	sshrl.u32 s1, $0x2  }
0xbb: {  	s3 =	sand.u32 $0x4000, s31;
	s1 =	sadd.s32 s1, s30  }
0xbc: {  	s0 =	sor.u32 s3, s0;
	s1 =	sshll.u32 s1, $0x11  }
0xbd: {  	s0 =	sor.u32 s1, s0  }
0xbe: {  	s0 =	sadd.s32 $0x8F2B, s0  }
0xbf: {  	[sflag:s0] =	ssyncadd.remote.s32 $0x1  }
0xc0: {  	_ =	sfence.sel $0xFFFF  }
0xc1: {  	[dreg:$0x0] =	wrdreg $0xFFFFFFFF;
	(pc) =	sbr.abs _section_cstart, $3  }
0xc2: {  	[dreg:$0x1] =	wrdreg $0xFFFFFFFF  }
0xc3: {  	_ =	task.clear_ibuf [dreg:s8], $0x2FFFF;
	_ =	strace $0x9FFFFFFF  }
0xc4: {  	(tm) =	ssettm $0x7FFFFFFF  }
0xc5: {  	_ =	shalt  }
tec
execute0_lowered:
.L_overlay_start_1:
0x0: {  	(tag) =	ssettag $0x1  }
0x1: {  	s3 =	rddreg [dreg:$0x0];
	s0 =	srdreg.scid  }
0x2: {  	s1 =	stileid.u32;
	s2 =	rddreg [dreg:$0x1];
	s10 =	simm.s32 $0x80  }
0x3: {  	s11 =	simm.s32 $0x400;
	s12 =	simm.s32 $0x100;
	s13 =	simm.s32 $0x1  }
0x4: {  	s14 =	simm.s32 $0x2;
	s15 =	simm.s32 $0x3;
	s16 =	simm.s32 $0x200  }
0x5: {  	s17 =	simm.s32 $0x10200;
	s0 =	sand.u32 $0x1, s0;
	s4 =	sshll.u32 s1, $0x1  }
0x6: {  	s20 =	simm.s32 $0x4;
	s21 =	simm.s32 $0x8200;
	s6 =	sor.u32 s0, s4  }
0x7: {  	s4 =	simm.s32 $0x0;
	s0 =	ssub.s32 $0x2, s0;
	s7 =	smul.u32 $0xC80, s6  }
0x8: {  	s5 =	smul.u32 $0x64, s6;
	s6 =	sshll.u32 s6, $0xA;
	s8 =	sshrl.u32 s0, $0x1  }
0x9: {  	s6 =	sand.u32 $0xC00, s6;
	s0 =	ssub.s32 s0, s8;
	s7 =	sand.u32 $0x1F000, s7  }
.Ltmp0:
0xa: {  	s30 =	sand.u32 $0x70, s5;
	s6 =	sor.u32 s6, s7;
	(pc) =	sbr.rel .LBB2_1-.Ltmp0, $4  }
0xb: {  	[smem:$0x7FF] =	sst s4;
	s0 =	smax.u32 s0, $0x1;
	s7 =	sor.u32 s30, s6  }
0xc: {  	_ =	strace $0x80000047;
	[dreg:$0x6] =	wrdreg s0;
	s31 =	sadd.s32 s3, s7  }
0xd: {  	s22 =	simm.s32 $0x14200;
	[dreg:$0x4] =	wrdreg s31;
	s1 =	sadd.s32 $0x100, s31  }
0xe: {  	v0 =	vlaneseq.u32;
	s6 =	sadd.s32 $0x400, s2;
	[dreg:$0x5] =	wrdreg s1;
	s1 =	simm.s32 $0x0  }
.LBB2_22:
0xf: {  	s0 =	simm.s32 $0x5  }
0x10: {  	_ =	swait.ge [sflag:s0], $0x4000  }
0x11: {  	[sflag:s0] =	ssyncset.done $0x0  }
0x12: {  	[sflag:s0] =	ssyncadd.s32 $0xFFFFC000  }
0x13: {  	_ =	swait.ge [sflag:s23], $0x4000  }
0x14: {  	s1 =	rddreg [dreg:$0x7]  }
0x15: {  	s31 =	rddreg [dreg:$0x6];
	s1 =	sadd.s32 $0x1, s1  }
0x16: {  	p0 =	sne.s32 s1, s31  }
.Ltmp1:
0x17: {  	_ = 	snop;
	(pc) =	sbr.rel @!p0 .LBB2_23-.Ltmp1, $3  }
0x18: {  	_ =	sdelay $0x1  }
0x19: {  	[sflag:s23] =	ssyncset.done $0x0  }
0x1a: {  	[sflag:s23] =	ssyncadd.s32 $0xFFFFC000  }
.LBB2_1:
0x1b: {  	[dreg:$0x7] =	wrdreg s1  }
0x1c: {  	s0 =	rddreg [dreg:$0x4]  }
0x1d: {  	[tilespmem:s4], [sflag:$0x1] =	stream.strided.gather [hbm4b:s0+s10], $0x100, s11, s10, $0x38;
	[tilespmem:$0x18200] =	vst v63  }
0x1e: {  	s31 =	rddreg [dreg:$0x5]  }
0x1f: {  	[tilespmem:s12], [sflag:$0x2] =	stream.strided.gather [hbm4b:s31+s10], $0x100, s11, s10, $0x38;
	[tilespmem:$0x18200] =	vst v63  }
0x20: {  	_ =	swait.ge [sflag:s13], $0x100  }
0x21: {  	[sflag:s13] =	ssyncset.done $0x0  }
0x22: {  	[sflag:s13] =	ssyncadd.s32 $0xFFFFFF00  }
0x23: {  	v1 =	vld [tilespmem:s4+$0x0];
	_ =	sdelay $0x4  }
0x24: {  	v1 =	vshll.u32 v1, $0x4  }
0x25: {  	(v2sf) =	vpush v1, $0x0  }
0x26: {  	(v2sf) =	vpush v1, $0x1  }
0x27: {  	(v2sf) =	vpush v1, $0x2;
	_ =	sdelay $0x1  }
0x28: {  	(v2sf) =	vpush v1, $0x4;
	_ =	sdelay $0x1  }
0x29: {  	(v2sf) =	vpush v1, $0x3  }
0x2a: {  	(v2sf) =	vpush v1, $0x5  }
0x2b: {  	s29 =	simm.s32 $0x2000;
	s28 =	simm.s32 $0x0;
	s30 =	simm.s32 $0x0;
	(v2sf) =	vpush v1, $0x6  }
.LBB2_2:
0x2c: {  	p0 =	sne.s32 s29, $0x1E000  }
0x2d: {  	s1 =	sadd.s32 $0x280, s28;
	s8 =	sadd.s32 $0x780, s28;
	s31 =	smov.u32 s29  }
0x2e: {  	s29 =	sadd.s32 $0x2000, s29;
	s23 =	sadd.s32 $0x580, s28;
	s2 =	sadd.s32 $0x800, s28;
	(v2sf) =	vpush v1, $0x7  }
0x2f: {  	s12 =	sadd.s32 $0x480, s28;
	s9 =	sadd.s32 $0x600, s28;
	s0 =	sadd.s32 $0x880, s28  }
0x30: {  	s10 =	sadd.s32 $0x200, s28;
	s11 =	sadd.s32 $0x400, s28;
	(v2sf) =	vpush v1, $0x8  }
0x31: {  	s26 =	simm.s32 $0x0;
	s13 =	sadd.s32 $0x500, s28;
	s30 =	sadd.s32 $0x10, s30  }
0x32: {  	s3 =	sadd.s32 $0x300, s28;
	s7 =	sadd.s32 $0x700, s28;
	s25 =	spop (v2sf);
	(v2sf) =	vpush v1, $0x9  }
0x33: {  	s18 =	sand.u32 $0x1FFFFFF0, s25;
	s25 =	sadd.s32 $0x680, s28;
	s19 =	spop (v2sf)  }
0x34: {  	s18 =	sadd.s32 s6, s18;
	s19 =	sand.u32 $0x1FFFFFF0, s19;
	s24 =	spop (v2sf);
	(v2sf) =	vpush v1, $0xA  }
0x35: {  	[tilespmem:s10], [sflag:$0x3] =	stream.linear.gather [hbm4b:s18+s26], $0x80, $0x38;
	[tilespmem:$0x18200] =	vst v63  }
0x36: {  	s10 =	sadd.s32 s6, s19;
	s18 =	sadd.s32 $0x380, s28;
	s19 =	spop (v2sf);
	(v2sf) =	vpush v1, $0xB  }
0x37: {  	[tilespmem:s1], [sflag:$0x3] =	stream.linear.gather [hbm4b:s10+s26], $0x80, $0x38;
	[tilespmem:$0x18200] =	vst v63  }
0x38: {  	s1 =	sand.u32 $0x1FFFFFF0, s24;
	s10 =	sand.u32 $0x1FFFFFF0, s19;
	s19 =	spop (v2sf);
	(v2sf) =	vpush v1, $0xC  }
0x39: {  	s1 =	sadd.s32 s6, s1;
	s19 =	sand.u32 $0x1FFFFFF0, s19;
	s24 =	spop (v2sf)  }
0x3a: {  	[tilespmem:s3], [sflag:$0x3] =	stream.linear.gather [hbm4b:s1+s26], $0x80, $0x38;
	(v2sf) =	vpush v1, $0xD;
	[tilespmem:$0x18200] =	vst v63  }
0x3b: {  	s1 =	sadd.s32 s6, s19;
	s3 =	sand.u32 $0x1FFFFFF0, s24;
	s19 =	spop (v2sf)  }
0x3c: {  	[tilespmem:s18], [sflag:$0x3] =	stream.linear.gather [hbm4b:s1+s26], $0x80, $0x38;
	(v2sf) =	vpush v1, $0xE;
	[tilespmem:$0x18200] =	vst v63  }
0x3d: {  	s1 =	sadd.s32 s6, s10;
	s10 =	sand.u32 $0x1FFFFFF0, s19;
	s18 =	spop (v2sf)  }
0x3e: {  	[tilespmem:s11], [sflag:$0x3] =	stream.linear.gather [hbm4b:s1+s26], $0x80, $0x38;
	(v2sf) =	vpush v1, $0xF;
	[tilespmem:$0x18200] =	vst v63  }
0x3f: {  	s1 =	sadd.s32 s6, s3;
	s3 =	sand.u32 $0x1FFFFFF0, s18;
	s11 =	spop (v2sf)  }
0x40: {  	[tilespmem:s12], [sflag:$0x3] =	stream.linear.gather [hbm4b:s1+s26], $0x80, $0x38;
	[tilespmem:$0x18200] =	vst v63  }
0x41: {  	s1 =	sadd.s32 s6, s10;
	s10 =	sand.u32 $0x1FFFFFF0, s11;
	s11 =	spop (v2sf)  }
0x42: {  	[tilespmem:s13], [sflag:$0x3] =	stream.linear.gather [hbm4b:s1+s26], $0x80, $0x38;
	[tilespmem:$0x18200] =	vst v63  }
0x43: {  	s1 =	sadd.s32 s6, s3;
	s3 =	sand.u32 $0x1FFFFFF0, s11;
	s11 =	spop (v2sf)  }
0x44: {  	[tilespmem:s23], [sflag:$0x3] =	stream.linear.gather [hbm4b:s1+s26], $0x80, $0x38;
	[tilespmem:$0x18200] =	vst v63  }
0x45: {  	s1 =	sadd.s32 s6, s10;
	s10 =	sand.u32 $0x1FFFFFF0, s11;
	s11 =	spop (v2sf)  }
0x46: {  	[tilespmem:s9], [sflag:$0x3] =	stream.linear.gather [hbm4b:s1+s26], $0x80, $0x38;
	[tilespmem:$0x18200] =	vst v63  }
0x47: {  	s1 =	sadd.s32 s6, s3;
	s3 =	sand.u32 $0x1FFFFFF0, s11;
	s9 =	spop (v2sf)  }
0x48: {  	[tilespmem:s25], [sflag:$0x3] =	stream.linear.gather [hbm4b:s1+s26], $0x80, $0x38;
	[tilespmem:$0x18200] =	vst v63  }
0x49: {  	s1 =	sadd.s32 s6, s10;
	s9 =	sand.u32 $0x1FFFFFF0, s9;
	s10 =	spop (v2sf)  }
0x4a: {  	[tilespmem:s7], [sflag:$0x3] =	stream.linear.gather [hbm4b:s1+s26], $0x80, $0x38;
	[tilespmem:$0x18200] =	vst v63  }
0x4b: {  	s1 =	sadd.s32 s6, s3;
	s3 =	sand.u32 $0x1FFFFFF0, s10;
	s7 =	spop (v2sf)  }
0x4c: {  	[tilespmem:s8], [sflag:$0x3] =	stream.linear.gather [hbm4b:s1+s26], $0x80, $0x38;
	[tilespmem:$0x18200] =	vst v63  }
0x4d: {  	s1 =	sadd.s32 s6, s9;
	s7 =	sand.u32 $0x1FFFFFF0, s7;
	s8 =	spop (v2sf)  }
0x4e: {  	[tilespmem:s2], [sflag:$0x3] =	stream.linear.gather [hbm4b:s1+s26], $0x80, $0x38;
	[tilespmem:$0x18200] =	vst v63  }
0x4f: {  	s1 =	sadd.s32 s6, s3;
	s2 =	sand.u32 $0x1FFFFFF0, s8  }
0x50: {  	[tilespmem:s0], [sflag:$0x3] =	stream.linear.gather [hbm4b:s1+s26], $0x80, $0x38;
	[tilespmem:$0x18200] =	vst v63  }
0x51: {  	s0 =	sadd.s32 $0x900, s28;
	s1 =	sadd.s32 s6, s7  }
0x52: {  	[tilespmem:s0], [sflag:$0x3] =	stream.linear.gather [hbm4b:s1+s26], $0x80, $0x38;
	[tilespmem:$0x18200] =	vst v63  }
0x53: {  	s0 =	sadd.s32 $0x980, s28;
	s1 =	sadd.s32 s6, s2  }
0x54: {  	[tilespmem:s0], [sflag:$0x3] =	stream.linear.gather [hbm4b:s1+s26], $0x80, $0x38;
	[tilespmem:$0x18200] =	vst v63  }
0x55: {  	v1 =	vld [tilespmem:s30+$0x0];
	_ =	sdelay $0x4  }
0x56: {  	v1 =	vshll.u32 v1, $0x4  }
0x57: {  	(v2sf) =	vpush v1, $0x0  }
0x58: {  	(v2sf) =	vpush v1, $0x1  }
0x59: {  	(v2sf) =	vpush v1, $0x2;
	_ =	sdelay $0x1  }
0x5a: {  	(v2sf) =	vpush v1, $0x4  }
.Ltmp2:
0x5b: {  	(pc) =	sbr.rel @p0 .LBB2_2-.Ltmp2, $3  }
0x5c: {  	(v2sf) =	vpush v1, $0x3  }
0x5d: {  	(v2sf) =	vpush v1, $0x5;
	_ =	sdelay $0x1  }
0x5e: {  	s28 =	sshra.s32 s31, $0x2;
	(v2sf) =	vpush v1, $0x6  }
0x5f: {  	_ =	sdelay $0x1  }
0x60: {  	s1 =	sadd.s32 $0x280, s28  }
0x61: {  	s7 =	sadd.s32 $0x780, s28;
	s3 =	sadd.s32 $0x580, s28;
	s0 =	sadd.s32 $0x800, s28;
	(v2sf) =	vpush v1, $0x7  }
0x62: {  	s8 =	sadd.s32 $0x480, s28;
	s9 =	sadd.s32 $0x600, s28;
	s2 =	sadd.s32 $0x880, s28  }
0x63: {  	s10 =	sadd.s32 $0x200, s28;
	s11 =	sadd.s32 $0x400, s28;
	(v2sf) =	vpush v1, $0x8;
	s13 =	spop (v2sf)  }
0x64: {  	s12 =	sadd.s32 $0x500, s28;
	s13 =	sand.u32 $0x1FFFFFF0, s13;
	s19 =	spop (v2sf)  }
0x65: {  	(v2sf) =	vpush v1, $0x9;
	s13 =	sadd.s32 s6, s13;
	s19 =	sand.u32 $0x1FFFFFF0, s19;
	s23 =	spop (v2sf)  }
0x66: {  	[tilespmem:s10], [sflag:$0x3] =	stream.linear.gather [hbm4b:s13+s26], $0x80, $0x38;
	[tilespmem:$0x18200] =	vst v63  }
0x67: {  	s18 =	sadd.s32 $0x300, s28;
	(v2sf) =	vpush v1, $0xA;
	s24 =	sadd.s32 s6, s19;
	s25 =	spop (v2sf)  }
0x68: {  	[tilespmem:s1], [sflag:$0x3] =	stream.linear.gather [hbm4b:s24+s26], $0x80, $0x38;
	[tilespmem:$0x18200] =	vst v63  }
0x69: {  	s10 =	sadd.s32 $0x700, s28;
	s29 =	sand.u32 $0x1FFFFFF0, s23;
	s30 =	spop (v2sf)  }
0x6a: {  	(v2sf) =	vpush v1, $0xB;
	s13 =	sadd.s32 s6, s29;
	s24 =	sadd.s32 $0x380, s28;
	s23 =	sand.u32 $0x1FFFFFF0, s30  }
0x6b: {  	[tilespmem:s18], [sflag:$0x3] =	stream.linear.gather [hbm4b:s13+s26], $0x80, $0x38;
	[tilespmem:$0x18200] =	vst v63  }
0x6c: {  	s31 =	sand.u32 $0x1FFFFFF0, s25;
	s25 =	spop (v2sf);
	s29 =	sadd.s32 s6, s23  }
0x6d: {  	(v2sf) =	vpush v1, $0xC;
	[tilespmem:s24], [sflag:$0x3] =	stream.linear.gather [hbm4b:s29+s26], $0x80, $0x38;
	[tilespmem:$0x18200] =	vst v63  }
0x6e: {  	(v2sf) =	vpush v1, $0xD;
	s13 =	sadd.s32 s6, s31;
	s18 =	sand.u32 $0x1FFFFFF0, s25;
	s30 =	spop (v2sf)  }
0x6f: {  	[tilespmem:s11], [sflag:$0x3] =	stream.linear.gather [hbm4b:s13+s26], $0x80, $0x38;
	[tilespmem:$0x18200] =	vst v63  }
0x70: {  	s18 =	sadd.s32 s6, s18;
	s31 =	sand.u32 $0x1FFFFFF0, s30;
	s19 =	spop (v2sf)  }
0x71: {  	[tilespmem:s8], [sflag:$0x3] =	stream.linear.gather [hbm4b:s18+s26], $0x80, $0x38;
	[tilespmem:$0x18200] =	vst v63  }
0x72: {  	(v2sf) =	vpush v1, $0xE;
	s23 =	sand.u32 $0x1FFFFFF0, s19;
	s24 =	spop (v2sf);
	s11 =	sadd.s32 s6, s31  }
0x73: {  	[tilespmem:s12], [sflag:$0x3] =	stream.linear.gather [hbm4b:s11+s26], $0x80, $0x38;
	[tilespmem:$0x18200] =	vst v63  }
0x74: {  	s1 =	sadd.s32 $0x680, s28;
	(v2sf) =	vpush v1, $0xF;
	s8 =	sadd.s32 s6, s23;
	s29 =	spop (v2sf)  }
0x75: {  	[tilespmem:s3], [sflag:$0x3] =	stream.linear.gather [hbm4b:s8+s26], $0x80, $0x38;
	[tilespmem:$0x18200] =	vst v63  }
0x76: {  	s25 =	sand.u32 $0x1FFFFFF0, s24;
	s30 =	sand.u32 $0x1FFFFFF0, s29;
	s31 =	spop (v2sf)  }
0x77: {  	s11 =	sadd.s32 s6, s25;
	s8 =	sand.u32 $0x1FFFFFF0, s31;
	s3 =	sadd.s32 s6, s30  }
0x78: {  	[tilespmem:s9], [sflag:$0x3] =	stream.linear.gather [hbm4b:s11+s26], $0x80, $0x38;
	[tilespmem:$0x18200] =	vst v63  }
0x79: {  	s30 =	sadd.s32 $0x900, s28;
	s31 =	sadd.s32 $0x980, s28;
	s11 =	spop (v2sf)  }
0x7a: {  	s8 =	sadd.s32 s6, s8;
	s9 =	rddreg [dreg:$0x2];
	s12 =	sand.u32 $0x1FFFFFF0, s11  }
0x7b: {  	[tilespmem:s1], [sflag:$0x3] =	stream.linear.gather [hbm4b:s3+s26], $0x80, $0x38;
	[tilespmem:$0x18200] =	vst v63  }
0x7c: {  	s11 =	simm.s32 $0x400;
	s13 =	spop (v2sf);
	s1 =	sadd.s32 s6, s12  }
0x7d: {  	s12 =	simm.s32 $0x100;
	s3 =	sand.u32 $0x1FFFFFF0, s13;
	s18 =	spop (v2sf)  }
0x7e: {  	[tilespmem:s10], [sflag:$0x3] =	stream.linear.gather [hbm4b:s8+s26], $0x80, $0x38;
	[tilespmem:$0x18200] =	vst v63  }
0x7f: {  	s13 =	simm.s32 $0x1;
	s19 =	sand.u32 $0x1FFFFFF0, s18;
	s3 =	sadd.s32 s6, s3  }
0x80: {  	[tilespmem:s7], [sflag:$0x3] =	stream.linear.gather [hbm4b:s1+s26], $0x80, $0x38;
	[tilespmem:$0x18200] =	vst v63  }
0x81: {  	s8 =	rddreg [dreg:$0x0];
	s10 =	simm.s32 $0x80;
	s23 =	spop (v2sf)  }
0x82: {  	[tilespmem:s0], [sflag:$0x3] =	stream.linear.gather [hbm4b:s3+s26], $0x80, $0x38;
	[tilespmem:$0x18200] =	vst v63  }
0x83: {  	s24 =	sand.u32 $0x1FFFFFF0, s23;
	s25 =	spop (v2sf);
	s1 =	sadd.s32 s6, s19  }
0x84: {  	[tilespmem:s2], [sflag:$0x3] =	stream.linear.gather [hbm4b:s1+s26], $0x80, $0x38;
	[tilespmem:$0x18200] =	vst v63  }
0x85: {  	s18 =	simm.s32 $0x800;
	s29 =	sand.u32 $0x1FFFFFF0, s25;
	s0 =	sadd.s32 s6, s24  }
0x86: {  	[tilespmem:s30], [sflag:$0x3] =	stream.linear.gather [hbm4b:s0+s26], $0x80, $0x38;
	[tilespmem:$0x18200] =	vst v63  }
0x87: {  	s19 =	simm.s32 $0x8000;
	s23 =	simm.s32 $0x6;
	s1 =	sadd.s32 s6, s29  }
0x88: {  	[tilespmem:s31], [sflag:$0x3] =	stream.linear.gather [hbm4b:s1+s26], $0x80, $0x38;
	[tilespmem:$0x18200] =	vst v63  }
.LBB2_4:
0x89: {  	_ =	swait.ge [sflag:s14], $0x100  }
0x8a: {  	[sflag:s14] =	ssyncset.done $0x0  }
0x8b: {  	[sflag:s14] =	ssyncadd.s32 $0xFFFFFF00  }
0x8c: {  	_ =	swait.ge [sflag:s15], $0x8000  }
.Ltmp3:
0x8d: {  	p0 =	seq.s32 s26, $0x0;
	[sflag:s15] =	ssyncset.done $0x0;
	(pc) =	sbr.rel .LBB2_5-.Ltmp3, $4  }
0x8e: {  	s0 =	simm.s32 @!p0 $0x5;
	[sflag:s15] =	ssyncadd.s32 $0xFFFF8000  }
0x8f: {  	_ =	swait.ge @!p0 [sflag:s0], $0x4000  }
0x90: {  	s1 =	sshll.u32 s26, $0x1;
	s28 =	sshllo.u32 s26, $0x1;
	[sflag:s0] =	ssyncset.done @!p0 $0x0  }
0x91: {  	s30 =	simm.s32 $0x0;
	s29 =	sadd.s32 s5, s1;
	[sflag:s0] =	ssyncadd.s32 @!p0 $0xFFFFC000  }
.LBB2_9:
0x92: {  	s30 =	sadd.s32 $0x1, s30  }
0x93: {  	p1 =	sne.s32 s30, $0x40  }
.Ltmp4:
0x94: {  	_ = 	snop;
	(pc) =	sbr.rel @!p1 .LBB2_10-.Ltmp4, $1  }
0x95: {  	_ =	sdelay $0x3  }
.LBB2_5:
0x96: {  	v1 =	vadd.s32 s30, v0  }
0x97: {  	s0 =	simm.s32 $0x30;
	s1 =	simm.s32 $0x10;
	v2 =	vshll.u32 v1, $0x8;
	v3 =	vshll.u32 v1, $0x7  }
0x98: {  	s2 =	simm.s32 $0x20;
	s3 =	simm.s32 $0x0;
	v1 =	vand.u32 $0x3F, v1;
	v4 =	vor.u32 s0, v0;
	v5 =	vor.u32 s1, v0  }
0x99: {  	s31 =	simm.s32 $0x40;
	v6 =	vor.u32 s2, v0;
	v8 =	vor.u32 s3, v0;
	v12 =	vmov s3  }
0x9a: {  	s24 =	simm.s32 $0x50;
	v13 =	vmov s1;
	v14 =	vmov s2;
	v20 =	vmov s31  }
0x9b: {  	v61 =	vmov s24;
	v2 =	vand.u32 $0x3800, v2;
	v3 =	vand.u32 $0x380, v3  }
0x9c: {  	v7 =	vshll.u32 v4, $0x7;
	v9 =	vshll.u32 v5, $0x7;
	v10 =	vshll.u32 v6, $0x7  }
0x9d: {  	v11 =	vshll.u32 v8, $0x7;
	v12 =	vshll.u32 v12, $0x3;
	v8 =	vand.u32 $0x4F, v8  }
0x9e: {  	v13 =	vshll.u32 v13, $0x3;
	v5 =	vand.u32 $0x5F, v5;
	v14 =	vshll.u32 v14, $0x3  }
0x9f: {  	v6 =	vand.u32 $0x6F, v6;
	v4 =	vand.u32 $0x7F, v4;
	v2 =	vor.u32 v3, v2  }
0xa0: {  	v3 =	vmov s0;
	v9 =	vor.u32 v1, v9;
	v10 =	vor.u32 v1, v10  }
0xa1: {  	v11 =	vor.u32 v1, v11;
	v7 =	vor.u32 v1, v7;
	v12 =	vand.u32 $0x400, v12  }
0xa2: {  	s25 =	simm.s32 $0x60;
	v13 =	vand.u32 $0x400, v13;
	v14 =	vand.u32 $0x400, v14;
	v3 =	vshll.u32 v3, $0x3  }
0xa3: {  	v5 =	vor.u32 v13, v5;
	v13 =	vor.u32 s25, v0;
	v15 =	vand.u32 $0x400, v3  }
0xa4: {  	v3 =	vor.u32 v14, v6;
	v6 =	vor.u32 v12, v8;
	v12 =	vor.u32 s24, v0  }
0xa5: {  	s7 =	simm.s32 $0x70;
	v18 =	vshll.u32 v13, $0x7;
	v8 =	vor.u32 v2, v3;
	v16 =	vor.u32 v2, v6  }
0xa6: {  	v3 =	vor.u32 v2, v5;
	v4 =	vor.u32 v15, v4;
	v5 =	vmov s7  }
0xa7: {  	v6 =	vor.u32 s7, v0;
	v15 =	vor.u32 s31, v0;
	v17 =	vshll.u32 v12, $0x7  }
0xa8: {  	v18 =	vor.u32 v1, v18;
	v62 =	vand.u32 $0x5F, v12;
	v12 =	vmov s25;
	v10 =	vld.idx.msk [tilespmem:v10+s16+$0x0], $0xffff  }
0xa9: {  	v4 =	vor.u32 v2, v4;
	v14 =	vshll.u32 v6, $0x7;
	v19 =	vshll.u32 v15, $0x7;
	v11 =	vld.idx.msk [tilespmem:v11+s16+$0x0], $0xffff  }
0xaa: {  	v17 =	vor.u32 v1, v17;
	v5 =	vshll.u32 v5, $0x3;
	v15 =	vand.u32 $0x4F, v15;
	v21 =	vld.idx.msk [tilespmem:v9+s16+$0x0], $0xffff  }
0xab: {  	v24 =	vand.u32 $0x7F, v6;
	v19 =	vor.u32 v1, v19;
	v9 =	vshll.u32 v20, $0x3;
	v7 =	vld.idx.msk [tilespmem:v7+s16+$0x0], $0xffff  }
0xac: {  	v14 =	vor.u32 v1, v14;
	v22 =	vand.u32 $0x400, v9;
	v9 =	vshll.u32 v61, $0x3  }
0xad: {  	v25 =	vand.u32 $0x400, v5;
	v23 =	vand.u32 $0x400, v9;
	v9 =	vshll.u32 v12, $0x3  }
0xae: {  	v5 =	vand.u32 $0x6F, v13;
	v6 =	vand.u32 $0x400, v9;
	v9 =	vld.idx.msk [tilespmem:v18+s16+$0x0], $0xffff;
	v10 =	vmul.f32 $8.000000000e+00, v10  }
0xaf: {  	v13 =	vor.u32 v23, v62;
	v6 =	vor.u32 v6, v5;
	v63 =	vmul.f32 $8.000000000e+00, v11  }
0xb0: {  	v12 =	vmul.f32 $8.000000000e+00, v21;
	v5 =	vld.idx.msk [tilespmem:v19+s16+$0x0], $0xffff;
	v11 =	vor.u32 v2, v6;
	[tilespmem:v8+s17+$0x0] =	vst.idx.msk $0xffff, v10;
	v10 =	vmul.f32 $8.000000000e+00, v7  }
0xb1: {  	v8 =	vor.u32 v22, v15;
	v7 =	vld.idx.msk [tilespmem:v17+s16+$0x0], $0xffff;
	v15 =	vor.u32 v25, v24;
	[tilespmem:v16+s17+$0x0] =	vst.idx.msk $0xffff, v63  }
0xb2: {  	s2 =	simm.s32 $0xB0;
	s0 =	simm.s32 $0x4;
	v6 =	vor.u32 v2, v8;
	v8 =	vld.idx.msk [tilespmem:v14+s16+$0x0], $0xffff;
	v14 =	vor.u32 v2, v13;
	v13 =	vor.u32 v2, v15  }
.LBB2_6:
0xb3: {  	s1 =	sadd.s32 $0xFFFFFFE0, s2;
	s3 =	sadd.s32 $0xFFFFFFF0, s2;
	v15 =	vmov s2;
	v16 =	vor.u32 s2, v0;
	s0 =	sadd.s32 $0x4, s0;
	v9 =	vmul.f32 $8.000000000e+00, v9;
	[tilespmem:v3+s17+$0x0] =	vst.idx.msk $0xffff, v12;
	v3 =	vmovc v14  }
0xb4: {  	s7 =	sadd.s32 $0xFFFFFFD0, s2;
	v12 =	vor.u32 s1, v0;
	v14 =	vor.u32 s3, v0;
	v17 =	vshll.u32 v16, $0x7;
	p1 =	slt.u32 s0, $0xC;
	[tilespmem:v4+s17+$0x0] =	vst.idx.msk $0xffff, v10;
	v4 =	vmovc v13  }
0xb5: {  	v10 =	vor.u32 s7, v0;
	v13 =	vshll.u32 v12, $0x7;
	v18 =	vshll.u32 v14, $0x7;
	[tilespmem:v11+s17+$0x0] =	vst.idx.msk $0xffff, v9  }
0xb6: {  	v9 =	vshll.u32 v10, $0x7;
	v11 =	vor.u32 v1, v13;
	v13 =	vor.u32 v1, v18  }
0xb7: {  	v17 =	vor.u32 v1, v17;
	v18 =	vmov s7;
	v19 =	vor.u32 v1, v9  }
0xb8: {  	v15 =	vshll.u32 v15, $0x3;
	v9 =	vshll.u32 v18, $0x3;
	v18 =	vmov s1  }
0xb9: {  	v20 =	vand.u32 $0x4F, v10;
	v21 =	vand.u32 $0x400, v9;
	v9 =	vshll.u32 v18, $0x3  }
0xba: {  	v10 =	vmov s3;
	v18 =	vand.u32 $0x5F, v12;
	v22 =	vand.u32 $0x400, v9  }
0xbb: {  	v15 =	vand.u32 $0x400, v15;
	v10 =	vshll.u32 v10, $0x3;
	v9 =	vld.idx.msk [tilespmem:v13+s16+$0x0], $0xffff;
	v13 =	vand.u32 $0x7F, v16  }
.Ltmp5:
0xbc: {  	v10 =	vand.u32 $0x400, v10;
	v12 =	vand.u32 $0x6F, v14;
	v16 =	vmul.f32 $8.000000000e+00, v5;
	v5 =	vld.idx.msk [tilespmem:v19+s16+$0x0], $0xffff;
	(pc) =	sbr.rel @p1 .LBB2_6-.Ltmp5, $4  }
0xbd: {  	v14 =	vor.u32 v10, v12;
	v12 =	vmul.f32 $8.000000000e+00, v7;
	v10 =	vmul.f32 $8.000000000e+00, v8;
	v7 =	vld.idx.msk [tilespmem:v11+s16+$0x0], $0xffff  }
0xbe: {  	v18 =	vor.u32 v22, v18;
	v19 =	vor.u32 v21, v20;
	v11 =	vor.u32 v2, v14;
	v8 =	vld.idx.msk [tilespmem:v17+s16+$0x0], $0xffff  }
0xbf: {  	v13 =	vor.u32 v15, v13;
	v14 =	vor.u32 v2, v18;
	v17 =	vor.u32 v2, v19  }
0xc0: {  	s2 =	sadd.s32 $0x40, s2;
	v13 =	vor.u32 v2, v13;
	[tilespmem:v6+s17+$0x0] =	vst.idx.msk $0xffff, v16;
	v6 =	vmov v17  }
0xc1: {  	_ =	sdelay $0x3  }
0xc2: {  	v1 =	vmul.f32 $8.000000000e+00, v9;
	[tilespmem:v3+s17+$0x0] =	vst.idx.msk $0xffff, v12;
	p1 =	sgt.u32 s30, $0xF  }
.Ltmp6:
0xc3: {  	[tilespmem:v4+s17+$0x0] =	vst.idx.msk $0xffff, v10;
	v2 =	vmul.f32 $8.000000000e+00, v5;
	(pc) =	sbr.rel @p1 .LBB2_9-.Ltmp6, $4  }
0xc4: {  	[tilespmem:v11+s17+$0x0] =	vst.idx.msk $0xffff, v1;
	v1 =	vmul.f32 $8.000000000e+00, v7  }
0xc5: {  	v3 =	vmul.f32 $8.000000000e+00, v8;
	[tilespmem:v6+s17+$0x0] =	vst.idx.msk $0xffff, v2  }
0xc6: {  	[tilespmem:v14+s17+$0x0] =	vst.idx.msk $0xffff, v1  }
0xc7: {  	[tilespmem:v13+s17+$0x0] =	vst.idx.msk $0xffff, v3  }
0xc8: {  	s0 =	sshll.u32 s30, $0x4  }
0xc9: {  	s0 =	sand.u32 $0x3FFFFFF0, s0  }
0xca: {  	v1 =	vld [tilespmem:s0+$0x100];
	_ =	sdelay $0x4  }
0xcb: {  	v1 =	vshll.u32 v1, $0x4  }
0xcc: {  	(v2sf) =	vpush v1, $0x0;
	_ =	sdelay $0x3  }
0xcd: {  	(v2sf) =	vpush v1, $0x1;
	_ =	sdelay $0x1  }
0xce: {  	(v2sf) =	vpush v1, $0x2;
	_ =	sdelay $0x2  }
0xcf: {  	(v2sf) =	vpush v1, $0x3;
	_ =	sdelay $0x5  }
0xd0: {  	s31 =	sshll.u32 s30, $0xB;
	s1 =	spop (v2sf);
	(v2sf) =	vpush v1, $0x4  }
0xd1: {  	s0 =	sand.u32 $0x3FFFF800, s31;
	s1 =	sand.u32 $0x1FFFFFF0, s1  }
0xd2: {  	s2 =	sadd.s32 $0x8200, s0;
	s1 =	sadd.s32 s6, s1  }
0xd3: {  	[tilespmem:s2], [sflag:$0x4] =	stream.linear.gather [hbm4b:s1+s4], $0x80, $0x38;
	[tilespmem:$0x18200] =	vst v63  }
0xd4: {  	s2 =	spop (v2sf);
	(v2sf) =	vpush v1, $0x5;
	_ =	sdelay $0x1  }
0xd5: {  	s7 =	spop (v2sf);
	(v2sf) =	vpush v1, $0x6;
	_ =	sdelay $0x2  }
0xd6: {  	s25 =	spop (v2sf);
	(v2sf) =	vpush v1, $0x7;
	_ =	sdelay $0x2  }
0xd7: {  	s1 =	sand.u32 $0x1FFFFFF0, s2  }
0xd8: {  	s3 =	sadd.s32 $0x8280, s0;
	s1 =	sadd.s32 s6, s1  }
0xd9: {  	[tilespmem:s3], [sflag:$0x4] =	stream.linear.gather [hbm4b:s1+s4], $0x80, $0x38;
	[tilespmem:$0x18200] =	vst v63  }
0xda: {  	s1 =	sand.u32 $0x1FFFFFF0, s7;
	s2 =	spop (v2sf);
	(v2sf) =	vpush v1, $0x8  }
0xdb: {  	s24 =	sadd.s32 $0x8300, s0;
	s1 =	sadd.s32 s6, s1  }
0xdc: {  	[tilespmem:s24], [sflag:$0x4] =	stream.linear.gather [hbm4b:s1+s4], $0x80, $0x38;
	[tilespmem:$0x18200] =	vst v63  }
0xdd: {  	s1 =	sand.u32 $0x1FFFFFF0, s25  }
0xde: {  	s31 =	sadd.s32 $0x8380, s0;
	s1 =	sadd.s32 s6, s1;
	s7 =	spop (v2sf);
	(v2sf) =	vpush v1, $0x9  }
0xdf: {  	[tilespmem:s31], [sflag:$0x4] =	stream.linear.gather [hbm4b:s1+s4], $0x80, $0x38;
	[tilespmem:$0x18200] =	vst v63  }
0xe0: {  	s1 =	sand.u32 $0x1FFFFFF0, s2;
	s25 =	spop (v2sf);
	(v2sf) =	vpush v1, $0xA  }
0xe1: {  	s3 =	sadd.s32 $0x8400, s0;
	s1 =	sadd.s32 s6, s1  }
0xe2: {  	[tilespmem:s3], [sflag:$0x4] =	stream.linear.gather [hbm4b:s1+s4], $0x80, $0x38;
	[tilespmem:$0x18200] =	vst v63  }
0xe3: {  	s1 =	sand.u32 $0x1FFFFFF0, s7;
	s2 =	spop (v2sf);
	(v2sf) =	vpush v1, $0xB  }
0xe4: {  	s24 =	sadd.s32 $0x8480, s0;
	s1 =	sadd.s32 s6, s1  }
0xe5: {  	[tilespmem:s24], [sflag:$0x4] =	stream.linear.gather [hbm4b:s1+s4], $0x80, $0x38;
	[tilespmem:$0x18200] =	vst v63  }
0xe6: {  	s1 =	sand.u32 $0x1FFFFFF0, s25  }
0xe7: {  	s31 =	sadd.s32 $0x8500, s0;
	s1 =	sadd.s32 s6, s1  }
0xe8: {  	[tilespmem:s31], [sflag:$0x4] =	stream.linear.gather [hbm4b:s1+s4], $0x80, $0x38;
	[tilespmem:$0x18200] =	vst v63  }
0xe9: {  	s1 =	sand.u32 $0x1FFFFFF0, s2;
	s7 =	spop (v2sf);
	(v2sf) =	vpush v1, $0xC  }
0xea: {  	s3 =	sadd.s32 $0x8580, s0;
	s1 =	sadd.s32 s6, s1  }
0xeb: {  	[tilespmem:s3], [sflag:$0x4] =	stream.linear.gather [hbm4b:s1+s4], $0x80, $0x38;
	[tilespmem:$0x18200] =	vst v63  }
0xec: {  	s1 =	sand.u32 $0x1FFFFFF0, s7  }
0xed: {  	s24 =	sadd.s32 $0x8600, s0;
	s1 =	sadd.s32 s6, s1;
	s25 =	spop (v2sf);
	(v2sf) =	vpush v1, $0xD  }
0xee: {  	[tilespmem:s24], [sflag:$0x4] =	stream.linear.gather [hbm4b:s1+s4], $0x80, $0x38;
	[tilespmem:$0x18200] =	vst v63  }
0xef: {  	s1 =	sand.u32 $0x1FFFFFF0, s25;
	s2 =	spop (v2sf);
	(v2sf) =	vpush v1, $0xE  }
0xf0: {  	s31 =	sadd.s32 $0x8680, s0;
	s1 =	sadd.s32 s6, s1  }
0xf1: {  	[tilespmem:s31], [sflag:$0x4] =	stream.linear.gather [hbm4b:s1+s4], $0x80, $0x38;
	[tilespmem:$0x18200] =	vst v63  }
0xf2: {  	s7 =	spop (v2sf);
	(v2sf) =	vpush v1, $0xF;
	s1 =	sand.u32 $0x1FFFFFF0, s2  }
0xf3: {  	s3 =	sadd.s32 $0x8700, s0;
	s1 =	sadd.s32 s6, s1  }
0xf4: {  	[tilespmem:s3], [sflag:$0x4] =	stream.linear.gather [hbm4b:s1+s4], $0x80, $0x38;
	[tilespmem:$0x18200] =	vst v63  }
0xf5: {  	s1 =	sand.u32 $0x1FFFFFF0, s7  }
0xf6: {  	s24 =	sadd.s32 $0x8780, s0;
	s1 =	sadd.s32 s6, s1  }
0xf7: {  	[tilespmem:s24], [sflag:$0x4] =	stream.linear.gather [hbm4b:s1+s4], $0x80, $0x38;
	[tilespmem:$0x18200] =	vst v63  }
0xf8: {  	s25 =	spop (v2sf)  }
0xf9: {  	s1 =	sand.u32 $0x1FFFFFF0, s25  }
0xfa: {  	s31 =	sadd.s32 $0x8800, s0;
	s1 =	sadd.s32 s6, s1  }
0xfb: {  	[tilespmem:s31], [sflag:$0x4] =	stream.linear.gather [hbm4b:s1+s4], $0x80, $0x38;
	[tilespmem:$0x18200] =	vst v63  }
0xfc: {  	s3 =	spop (v2sf)  }
0xfd: {  	s1 =	sand.u32 $0x1FFFFFF0, s3  }
0xfe: {  	s7 =	sadd.s32 $0x8880, s0;
	s24 =	spop (v2sf);
	s1 =	sadd.s32 s6, s1  }
0xff: {  	[tilespmem:s7], [sflag:$0x4] =	stream.linear.gather [hbm4b:s1+s4], $0x80, $0x38;
	[tilespmem:$0x18200] =	vst v63  }
0x100: {  	s25 =	sadd.s32 $0x8900, s0;
	s1 =	sand.u32 $0x1FFFFFF0, s24  }
.Ltmp7:
0x101: {  	s31 =	spop (v2sf);
	s1 =	sadd.s32 s6, s1;
	(pc) =	sbr.rel .LBB2_9-.Ltmp7, $4  }
0x102: {  	[tilespmem:s25], [sflag:$0x4] =	stream.linear.gather [hbm4b:s1+s4], $0x80, $0x38;
	[tilespmem:$0x18200] =	vst v63  }
0x103: {  	s1 =	sand.u32 $0x1FFFFFF0, s31  }
0x104: {  	s0 =	sadd.s32 $0x8980, s0;
	s1 =	sadd.s32 s6, s1  }
0x105: {  	[tilespmem:s0], [sflag:$0x4] =	stream.linear.gather [hbm4b:s1+s4], $0x80, $0x38;
	[tilespmem:$0x18200] =	vst v63  }
.LBB2_10:
0x106: {  	p1 =	sne.s32 s26, $0x31  }
.Ltmp8:
0x107: {  	s0 =	sshll.u32 s29, $0x8;
	(pc) =	sbr.rel @!p1 .LBB2_11-.Ltmp8, $4  }
0x108: {  	s1 =	sshll.u32 s29, $0xB;
	s0 =	sand.u32 $0xE00, s0  }
0x109: {  	s1 =	sand.u32 $0xFFF8000, s1;
	s0 =	sadd.s32 s9, s0  }
0x10a: {  	s0 =	sadd.s32 s1, s0  }
0x10b: {  	[hbm4b:s0+s18] =	stream.strided.scatter [tilespmem:s17], [sflag:$0x5], $0x4000, s19, s18, $0x38;
	[tilespmem:$0x18200] =	vst v63  }
0x10c: {  	s0 =	sadd.s32 $0x2, s29  }
0x10d: {  	s1 =	sshll.u32 s0, $0x8;
	s2 =	sshll.u32 s0, $0xB  }
0x10e: {  	s0 =	sshll.u32 s0, $0x3;
	s1 =	sand.u32 $0xFFFF8000, s1;
	s2 =	sand.u32 $0x7000, s2  }
0x10f: {  	s0 =	sand.u32 $0x380, s0;
	s1 =	sor.u32 s2, s1  }
0x110: {  	s0 =	sor.u32 s0, s1  }
0x111: {  	s0 =	sshrl.u32 s0, $0x3  }
0x112: {  	s0 =	sadd.s32 s8, s0  }
0x113: {  	[tilespmem:s4], [sflag:$0x1] =	stream.strided.gather [hbm4b:s0+s10], $0x100, s11, s10, $0x38;
	[tilespmem:$0x18200] =	vst v63  }
0x114: {  	_ =	swait.ge [sflag:s13], $0x100  }
.Ltmp9:
0x115: {  	[sflag:s13] =	ssyncset.done $0x0;
	(pc) =	sbr.rel @!p0 .LBB2_13-.Ltmp9, $4  }
.Ltmp10:
0x116: {  	[sflag:s13] =	ssyncadd.s32 $0xFFFFFF00;
	(pc) =	sbr.rel @p0 .LBB2_14-.Ltmp10, $4  }
0x117: {  	_ =	swait.ge [sflag:s20], $0x8000  }
0x118: {  	[sflag:s20] =	ssyncset.done $0x0  }
0x119: {  	s28 =	sadd.s32 s5, s28;
	[sflag:s20] =	ssyncadd.s32 $0xFFFF8000  }
0x11a: {  	_ = 	snop  }
.LBB2_11:
0x11b: {  	_ =	swait.ge [sflag:s20], $0x8000  }
0x11c: {  	[sflag:s20] =	ssyncset.done $0x0  }
0x11d: {  	s28 =	sadd.s32 s5, s28;
	[sflag:s20] =	ssyncadd.s32 $0xFFFF8000  }
.LBB2_13:
0x11e: {  	_ =	swait.ge [sflag:s23], $0x4000  }
0x11f: {  	[sflag:s23] =	ssyncset.done $0x0  }
0x120: {  	[sflag:s23] =	ssyncadd.s32 $0xFFFFC000  }
.LBB2_14:
.Ltmp11:
0x121: {  	(pc) =	sbr.rel .LBB2_15-.Ltmp11, $2  }
0x122: {  	_ =	sdelay $0x2  }
0x123: {  	s29 =	simm.s32 $0x0;
	p0 =	seq.s32 s26, $0x31  }
.LBB2_19:
0x124: {  	s29 =	sadd.s32 $0x1, s29  }
0x125: {  	p1 =	sne.s32 s29, $0x40  }
.Ltmp12:
0x126: {  	_ = 	snop;
	(pc) =	sbr.rel @!p1 .LBB2_20-.Ltmp12, $1  }
0x127: {  	_ =	sdelay $0x3  }
.LBB2_15:
0x128: {  	v1 =	vadd.s32 s29, v0  }
0x129: {  	s0 =	simm.s32 $0x30;
	s1 =	simm.s32 $0x10;
	v2 =	vshll.u32 v1, $0x8;
	v3 =	vshll.u32 v1, $0x7  }
0x12a: {  	s2 =	simm.s32 $0x20;
	s7 =	simm.s32 $0x0;
	v1 =	vand.u32 $0x3F, v1;
	v4 =	vor.u32 s0, v0;
	v5 =	vor.u32 s1, v0  }
0x12b: {  	s31 =	simm.s32 $0x40;
	v6 =	vor.u32 s2, v0;
	v8 =	vor.u32 s7, v0;
	v12 =	vmov s7  }
0x12c: {  	s25 =	simm.s32 $0x50;
	v13 =	vmov s1;
	v14 =	vmov s2;
	v20 =	vmov s31  }
0x12d: {  	v61 =	vmov s25;
	v2 =	vand.u32 $0x3800, v2;
	v3 =	vand.u32 $0x380, v3  }
0x12e: {  	v7 =	vshll.u32 v4, $0x7;
	v9 =	vshll.u32 v5, $0x7;
	v10 =	vshll.u32 v6, $0x7  }
0x12f: {  	v11 =	vshll.u32 v8, $0x7;
	v12 =	vshll.u32 v12, $0x3;
	v8 =	vand.u32 $0x4F, v8  }
0x130: {  	v13 =	vshll.u32 v13, $0x3;
	v5 =	vand.u32 $0x5F, v5;
	v14 =	vshll.u32 v14, $0x3  }
0x131: {  	v6 =	vand.u32 $0x6F, v6;
	v4 =	vand.u32 $0x7F, v4;
	v2 =	vor.u32 v3, v2  }
0x132: {  	v3 =	vmov s0;
	v9 =	vor.u32 v1, v9;
	v10 =	vor.u32 v1, v10  }
0x133: {  	v11 =	vor.u32 v1, v11;
	v7 =	vor.u32 v1, v7;
	v12 =	vand.u32 $0x400, v12  }
0x134: {  	s30 =	simm.s32 $0x60;
	v13 =	vand.u32 $0x400, v13;
	v14 =	vand.u32 $0x400, v14;
	v3 =	vshll.u32 v3, $0x3  }
0x135: {  	v5 =	vor.u32 v13, v5;
	v13 =	vor.u32 s30, v0;
	v15 =	vand.u32 $0x400, v3  }
0x136: {  	v3 =	vor.u32 v14, v6;
	v6 =	vor.u32 v12, v8;
	v12 =	vor.u32 s25, v0  }
0x137: {  	s24 =	simm.s32 $0x70;
	v18 =	vshll.u32 v13, $0x7;
	v8 =	vor.u32 v2, v3;
	v16 =	vor.u32 v2, v6  }
0x138: {  	v3 =	vor.u32 v2, v5;
	v4 =	vor.u32 v15, v4;
	v5 =	vmov s24  }
0x139: {  	v6 =	vor.u32 s24, v0;
	v15 =	vor.u32 s31, v0;
	v17 =	vshll.u32 v12, $0x7  }
0x13a: {  	v18 =	vor.u32 v1, v18;
	v62 =	vand.u32 $0x5F, v12;
	v12 =	vmov s30;
	v10 =	vld.idx.msk [tilespmem:v10+s21+$0x0], $0xffff  }
0x13b: {  	v4 =	vor.u32 v2, v4;
	v14 =	vshll.u32 v6, $0x7;
	v19 =	vshll.u32 v15, $0x7;
	v11 =	vld.idx.msk [tilespmem:v11+s21+$0x0], $0xffff  }
0x13c: {  	v17 =	vor.u32 v1, v17;
	v5 =	vshll.u32 v5, $0x3;
	v15 =	vand.u32 $0x4F, v15;
	v21 =	vld.idx.msk [tilespmem:v9+s21+$0x0], $0xffff  }
0x13d: {  	v24 =	vand.u32 $0x7F, v6;
	v19 =	vor.u32 v1, v19;
	v9 =	vshll.u32 v20, $0x3;
	v7 =	vld.idx.msk [tilespmem:v7+s21+$0x0], $0xffff  }
0x13e: {  	v14 =	vor.u32 v1, v14;
	v22 =	vand.u32 $0x400, v9;
	v9 =	vshll.u32 v61, $0x3  }
0x13f: {  	v25 =	vand.u32 $0x400, v5;
	v23 =	vand.u32 $0x400, v9;
	v9 =	vshll.u32 v12, $0x3  }
0x140: {  	v5 =	vand.u32 $0x6F, v13;
	v6 =	vand.u32 $0x400, v9;
	v9 =	vld.idx.msk [tilespmem:v18+s21+$0x0], $0xffff;
	v10 =	vmul.f32 $8.000000000e+00, v10  }
0x141: {  	v13 =	vor.u32 v23, v62;
	v6 =	vor.u32 v6, v5;
	v63 =	vmul.f32 $8.000000000e+00, v11  }
0x142: {  	v12 =	vmul.f32 $8.000000000e+00, v21;
	v5 =	vld.idx.msk [tilespmem:v19+s21+$0x0], $0xffff;
	v11 =	vor.u32 v2, v6;
	[tilespmem:v8+s22+$0x0] =	vst.idx.msk $0xffff, v10;
	v10 =	vmul.f32 $8.000000000e+00, v7  }
0x143: {  	v8 =	vor.u32 v22, v15;
	v7 =	vld.idx.msk [tilespmem:v17+s21+$0x0], $0xffff;
	v15 =	vor.u32 v25, v24;
	[tilespmem:v16+s22+$0x0] =	vst.idx.msk $0xffff, v63  }
0x144: {  	s2 =	simm.s32 $0xB0;
	s0 =	simm.s32 $0x4;
	v6 =	vor.u32 v2, v8;
	v8 =	vld.idx.msk [tilespmem:v14+s21+$0x0], $0xffff;
	v14 =	vor.u32 v2, v13;
	v13 =	vor.u32 v2, v15  }
.LBB2_16:
0x145: {  	s1 =	sadd.s32 $0xFFFFFFE0, s2;
	s3 =	sadd.s32 $0xFFFFFFF0, s2;
	v15 =	vmov s2;
	v16 =	vor.u32 s2, v0;
	s0 =	sadd.s32 $0x4, s0;
	v9 =	vmul.f32 $8.000000000e+00, v9;
	[tilespmem:v3+s22+$0x0] =	vst.idx.msk $0xffff, v12;
	v3 =	vmovc v14  }
0x146: {  	s7 =	sadd.s32 $0xFFFFFFD0, s2;
	v12 =	vor.u32 s1, v0;
	v14 =	vor.u32 s3, v0;
	v17 =	vshll.u32 v16, $0x7;
	p1 =	slt.u32 s0, $0xC;
	[tilespmem:v4+s22+$0x0] =	vst.idx.msk $0xffff, v10;
	v4 =	vmovc v13  }
0x147: {  	v10 =	vor.u32 s7, v0;
	v13 =	vshll.u32 v12, $0x7;
	v18 =	vshll.u32 v14, $0x7;
	[tilespmem:v11+s22+$0x0] =	vst.idx.msk $0xffff, v9  }
0x148: {  	v9 =	vshll.u32 v10, $0x7;
	v11 =	vor.u32 v1, v13;
	v13 =	vor.u32 v1, v18  }
0x149: {  	v17 =	vor.u32 v1, v17;
	v18 =	vmov s7;
	v19 =	vor.u32 v1, v9  }
0x14a: {  	v15 =	vshll.u32 v15, $0x3;
	v9 =	vshll.u32 v18, $0x3;
	v18 =	vmov s1  }
0x14b: {  	v20 =	vand.u32 $0x4F, v10;
	v21 =	vand.u32 $0x400, v9;
	v9 =	vshll.u32 v18, $0x3  }
0x14c: {  	v10 =	vmov s3;
	v18 =	vand.u32 $0x5F, v12;
	v22 =	vand.u32 $0x400, v9  }
0x14d: {  	v15 =	vand.u32 $0x400, v15;
	v10 =	vshll.u32 v10, $0x3;
	v9 =	vld.idx.msk [tilespmem:v13+s21+$0x0], $0xffff;
	v13 =	vand.u32 $0x7F, v16  }
.Ltmp13:
0x14e: {  	v10 =	vand.u32 $0x400, v10;
	v12 =	vand.u32 $0x6F, v14;
	v16 =	vmul.f32 $8.000000000e+00, v5;
	v5 =	vld.idx.msk [tilespmem:v19+s21+$0x0], $0xffff;
	(pc) =	sbr.rel @p1 .LBB2_16-.Ltmp13, $4  }
0x14f: {  	v14 =	vor.u32 v10, v12;
	v12 =	vmul.f32 $8.000000000e+00, v7;
	v10 =	vmul.f32 $8.000000000e+00, v8;
	v7 =	vld.idx.msk [tilespmem:v11+s21+$0x0], $0xffff  }
0x150: {  	v18 =	vor.u32 v22, v18;
	v19 =	vor.u32 v21, v20;
	v11 =	vor.u32 v2, v14;
	v8 =	vld.idx.msk [tilespmem:v17+s21+$0x0], $0xffff  }
0x151: {  	v13 =	vor.u32 v15, v13;
	v14 =	vor.u32 v2, v18;
	v17 =	vor.u32 v2, v19  }
0x152: {  	s2 =	sadd.s32 $0x40, s2;
	v13 =	vor.u32 v2, v13;
	[tilespmem:v6+s22+$0x0] =	vst.idx.msk $0xffff, v16;
	v6 =	vmov v17  }
0x153: {  	_ =	sdelay $0x2  }
0x154: {  	p1 =	sgt.u32 @!p0 s29, $0xF  }
0x155: {  	v1 =	vmul.f32 $8.000000000e+00, v9;
	[tilespmem:v3+s22+$0x0] =	vst.idx.msk $0xffff, v12;
	p1 =	por p0, p1  }
.Ltmp14:
0x156: {  	[tilespmem:v4+s22+$0x0] =	vst.idx.msk $0xffff, v10;
	v2 =	vmul.f32 $8.000000000e+00, v5;
	(pc) =	sbr.rel @p1 .LBB2_19-.Ltmp14, $4  }
0x157: {  	[tilespmem:v11+s22+$0x0] =	vst.idx.msk $0xffff, v1;
	v1 =	vmul.f32 $8.000000000e+00, v7  }
0x158: {  	v3 =	vmul.f32 $8.000000000e+00, v8;
	[tilespmem:v6+s22+$0x0] =	vst.idx.msk $0xffff, v2  }
0x159: {  	[tilespmem:v14+s22+$0x0] =	vst.idx.msk $0xffff, v1  }
0x15a: {  	[tilespmem:v13+s22+$0x0] =	vst.idx.msk $0xffff, v3  }
0x15b: {  	s0 =	sshll.u32 s29, $0x4  }
0x15c: {  	s0 =	sand.u32 $0x3FFFFFF0, s0  }
0x15d: {  	v1 =	vld [tilespmem:s0+$0x0];
	_ =	sdelay $0x4  }
0x15e: {  	v1 =	vshll.u32 v1, $0x4  }
0x15f: {  	(v2sf) =	vpush v1, $0x0;
	_ =	sdelay $0x1  }
0x160: {  	(v2sf) =	vpush v1, $0x1;
	_ =	sdelay $0x1  }
0x161: {  	(v2sf) =	vpush v1, $0x2;
	_ =	sdelay $0x2  }
0x162: {  	(v2sf) =	vpush v1, $0x3;
	_ =	sdelay $0x7  }
0x163: {  	s1 =	spop (v2sf);
	(v2sf) =	vpush v1, $0x4;
	_ =	sdelay $0x1  }
0x164: {  	s24 =	spop (v2sf);
	(v2sf) =	vpush v1, $0x5;
	_ =	sdelay $0x1  }
0x165: {  	s30 =	spop (v2sf);
	(v2sf) =	vpush v1, $0x6  }
0x166: {  	s7 =	sshll.u32 s29, $0xB  }
0x167: {  	s0 =	sand.u32 $0x3FFFF800, s7;
	s1 =	sand.u32 $0x1FFFFFF0, s1  }
0x168: {  	s2 =	sor.u32 $0x200, s0;
	s1 =	sadd.s32 s6, s1;
	s3 =	spop (v2sf);
	(v2sf) =	vpush v1, $0x7  }
0x169: {  	[tilespmem:s2], [sflag:$0x3] =	stream.linear.gather [hbm4b:s1+s4], $0x80, $0x38;
	[tilespmem:$0x18200] =	vst v63  }
0x16a: {  	s1 =	sand.u32 $0x1FFFFFF0, s24  }
0x16b: {  	s25 =	sor.u32 $0x280, s0;
	s1 =	sadd.s32 s6, s1  }
0x16c: {  	[tilespmem:s25], [sflag:$0x3] =	stream.linear.gather [hbm4b:s1+s4], $0x80, $0x38;
	[tilespmem:$0x18200] =	vst v63  }
0x16d: {  	s1 =	sand.u32 $0x1FFFFFF0, s30  }
0x16e: {  	s31 =	sor.u32 $0x300, s0;
	s1 =	sadd.s32 s6, s1  }
0x16f: {  	[tilespmem:s31], [sflag:$0x3] =	stream.linear.gather [hbm4b:s1+s4], $0x80, $0x38;
	[tilespmem:$0x18200] =	vst v63  }
0x170: {  	s24 =	spop (v2sf);
	(v2sf) =	vpush v1, $0x8  }
0x171: {  	s1 =	sand.u32 $0x1FFFFFF0, s3  }
0x172: {  	s7 =	sor.u32 $0x380, s0;
	s1 =	sadd.s32 s6, s1;
	s30 =	spop (v2sf);
	(v2sf) =	vpush v1, $0x9  }
0x173: {  	[tilespmem:s7], [sflag:$0x3] =	stream.linear.gather [hbm4b:s1+s4], $0x80, $0x38;
	[tilespmem:$0x18200] =	vst v63  }
0x174: {  	s1 =	sand.u32 $0x1FFFFFF0, s24;
	s3 =	spop (v2sf);
	(v2sf) =	vpush v1, $0xA  }
0x175: {  	s25 =	sor.u32 $0x400, s0;
	s1 =	sadd.s32 s6, s1  }
0x176: {  	[tilespmem:s25], [sflag:$0x3] =	stream.linear.gather [hbm4b:s1+s4], $0x80, $0x38;
	[tilespmem:$0x18200] =	vst v63  }
0x177: {  	s24 =	spop (v2sf);
	(v2sf) =	vpush v1, $0xB  }
0x178: {  	s1 =	sand.u32 $0x1FFFFFF0, s30  }
0x179: {  	s31 =	sor.u32 $0x480, s0;
	s1 =	sadd.s32 s6, s1  }
0x17a: {  	[tilespmem:s31], [sflag:$0x3] =	stream.linear.gather [hbm4b:s1+s4], $0x80, $0x38;
	[tilespmem:$0x18200] =	vst v63  }
0x17b: {  	s1 =	sand.u32 $0x1FFFFFF0, s3  }
0x17c: {  	s7 =	sor.u32 $0x500, s0;
	s1 =	sadd.s32 s6, s1  }
0x17d: {  	[tilespmem:s7], [sflag:$0x3] =	stream.linear.gather [hbm4b:s1+s4], $0x80, $0x38;
	[tilespmem:$0x18200] =	vst v63  }
0x17e: {  	s1 =	sand.u32 $0x1FFFFFF0, s24  }
0x17f: {  	s25 =	sor.u32 $0x580, s0;
	s1 =	sadd.s32 s6, s1;
	s30 =	spop (v2sf);
	(v2sf) =	vpush v1, $0xC  }
0x180: {  	[tilespmem:s25], [sflag:$0x3] =	stream.linear.gather [hbm4b:s1+s4], $0x80, $0x38;
	[tilespmem:$0x18200] =	vst v63  }
0x181: {  	s3 =	spop (v2sf);
	(v2sf) =	vpush v1, $0xD  }
0x182: {  	s1 =	sand.u32 $0x1FFFFFF0, s30  }
0x183: {  	s31 =	sor.u32 $0x600, s0;
	s1 =	sadd.s32 s6, s1;
	s24 =	spop (v2sf)  }
0x184: {  	(v2sf) =	vpush v1, $0xE;
	[tilespmem:s31], [sflag:$0x3] =	stream.linear.gather [hbm4b:s1+s4], $0x80, $0x38;
	[tilespmem:$0x18200] =	vst v63  }
0x185: {  	s1 =	sand.u32 $0x1FFFFFF0, s3  }
0x186: {  	s7 =	sor.u32 $0x680, s0;
	s30 =	spop (v2sf);
	s1 =	sadd.s32 s6, s1  }
0x187: {  	(v2sf) =	vpush v1, $0xF;
	[tilespmem:s7], [sflag:$0x3] =	stream.linear.gather [hbm4b:s1+s4], $0x80, $0x38;
	[tilespmem:$0x18200] =	vst v63  }
0x188: {  	s1 =	sand.u32 $0x1FFFFFF0, s24  }
0x189: {  	s25 =	sor.u32 $0x700, s0;
	s1 =	sadd.s32 s6, s1  }
0x18a: {  	[tilespmem:s25], [sflag:$0x3] =	stream.linear.gather [hbm4b:s1+s4], $0x80, $0x38;
	[tilespmem:$0x18200] =	vst v63  }
0x18b: {  	s1 =	sand.u32 $0x1FFFFFF0, s30  }
0x18c: {  	s31 =	sor.u32 $0x780, s0;
	s1 =	sadd.s32 s6, s1  }
0x18d: {  	[tilespmem:s31], [sflag:$0x3] =	stream.linear.gather [hbm4b:s1+s4], $0x80, $0x38;
	[tilespmem:$0x18200] =	vst v63  }
0x18e: {  	s2 =	spop (v2sf)  }
0x18f: {  	s1 =	sand.u32 $0x1FFFFFF0, s2  }
0x190: {  	s3 =	sadd.s32 $0x800, s0;
	s7 =	spop (v2sf);
	s1 =	sadd.s32 s6, s1  }
0x191: {  	[tilespmem:s3], [sflag:$0x3] =	stream.linear.gather [hbm4b:s1+s4], $0x80, $0x38;
	[tilespmem:$0x18200] =	vst v63  }
0x192: {  	s1 =	sand.u32 $0x1FFFFFF0, s7  }
0x193: {  	s24 =	sadd.s32 $0x880, s0;
	s25 =	spop (v2sf);
	s1 =	sadd.s32 s6, s1  }
0x194: {  	[tilespmem:s24], [sflag:$0x3] =	stream.linear.gather [hbm4b:s1+s4], $0x80, $0x38;
	[tilespmem:$0x18200] =	vst v63  }
0x195: {  	s30 =	sadd.s32 $0x900, s0;
	s1 =	sand.u32 $0x1FFFFFF0, s25  }
.Ltmp15:
0x196: {  	s31 =	spop (v2sf);
	s1 =	sadd.s32 s6, s1;
	(pc) =	sbr.rel .LBB2_19-.Ltmp15, $4  }
0x197: {  	[tilespmem:s30], [sflag:$0x3] =	stream.linear.gather [hbm4b:s1+s4], $0x80, $0x38;
	[tilespmem:$0x18200] =	vst v63  }
0x198: {  	s1 =	sand.u32 $0x1FFFFFF0, s31  }
0x199: {  	s0 =	sadd.s32 $0x980, s0;
	s1 =	sadd.s32 s6, s1  }
0x19a: {  	[tilespmem:s0], [sflag:$0x3] =	stream.linear.gather [hbm4b:s1+s4], $0x80, $0x38;
	[tilespmem:$0x18200] =	vst v63  }
.LBB2_20:
.Ltmp16:
0x19b: {  	s0 =	sshll.u32 s28, $0x8;
	(pc) =	sbr.rel @p0 .LBB2_22-.Ltmp16, $4  }
0x19c: {  	s1 =	sshll.u32 s28, $0xB;
	s0 =	sand.u32 $0xF00, s0  }
0x19d: {  	s1 =	sand.u32 $0xFFF8000, s1;
	s0 =	sadd.s32 s9, s0  }
0x19e: {  	s0 =	sadd.s32 s1, s0  }
0x19f: {  	[hbm4b:s0+s18] =	stream.strided.scatter [tilespmem:s22], [sflag:$0x6], $0x4000, s19, s18, $0x38;
	[tilespmem:$0x18200] =	vst v63  }
0x1a0: {  	s0 =	sadd.s32 $0x2, s28  }
0x1a1: {  	s1 =	sshll.u32 s0, $0x8;
	s2 =	sshll.u32 s0, $0xB  }
0x1a2: {  	s0 =	sshll.u32 s0, $0x3;
	s1 =	sand.u32 $0xFFFF8000, s1;
	s2 =	sand.u32 $0x7800, s2  }
.Ltmp17:
0x1a3: {  	s0 =	sand.u32 $0x380, s0;
	s1 =	sor.u32 s2, s1;
	(pc) =	sbr.rel .LBB2_4-.Ltmp17, $4  }
0x1a4: {  	s0 =	sor.u32 s0, s1  }
0x1a5: {  	s0 =	sshrl.u32 s0, $0x3  }
0x1a6: {  	s26 =	sadd.s32 $0x1, s26;
	s0 =	sadd.s32 s8, s0  }
0x1a7: {  	[tilespmem:s12], [sflag:$0x2] =	stream.strided.gather [hbm4b:s0+s10], $0x100, s11, s10, $0x38;
	[tilespmem:$0x18200] =	vst v63  }
.LBB2_23:
0x1a8: {  	_ =	sfence.sel $0x180000  }
0x1a9: {  	[bflag:$0x0] =	sbarrier.arrive $0xFFFF  }
0x1aa: {  	_ =	strace $0x90000047  }
0x1ab: {  	s0 =	stileid.u32;
	[bflag:$0x2] =	sbarrier.arrive $0xFFFF  }
0x1ac: {  	p0 =	sne.s32 s0, $0x0;
	s0 =	rddreg [dreg:$0x3]  }
0x1ad: {  	s0 =	sadd.s32 @!p0 $0x100000, s0  }
0x1ae: {  	[sflag:s0] =	ssyncadd.tile.s32 @!p0 $0x1;
	_ =	shalt  }
.Lfunc_end2:
_tile_overlayer_lowered:
.L_overlay_start_2:
0x1af: {  	(tag) =	ssettag $0x2  }
0x1b0: {  	s0 =	rddreg [dreg:$0x0];
	s2 =	stileid.u32  }
0x1b1: {  	s1 =	rddreg [dreg:$0x1];
	p0 =	sne.s32 s2, $0x0  }
0x1b2: {  	s3 =	rddreg [dreg:$0x2];
	[bflag:$0x3] =	sbarrier.arrive $0xFFFF;
	s2 =	simm.s32 @!p0 $0x1C07  }
0x1b3: {  	[timem:s3], [sflag:s2] =	dma.local @!p0 [hbm:s0], s1  }
0x1b4: {  	s0 =	simm.s32 @!p0 $0x7  }
0x1b5: {  	_ =	swait.ge @!p0 [sflag:s0], s1  }
0x1b6: {  	s1 =	ssub.s32 @!p0 $0x0, s1;
	[sflag:s0] =	ssyncset.done @!p0 $0x0  }
0x1b7: {  	[sflag:s0] =	ssyncadd.s32 @!p0 s1  }
0x1b8: {  	[bflag:$0x3] =	sbarrier.arrive $0xFFFF  }
0x1b9: {  	_ =	shalt  }

</sc_bundles>
